<compile_context>
chip_gen: v7x
topology: tpu7x:2x2x1
jax: 0.10.2.dev20260603
libtpu: 0.0.44.dev20260713+nightly
codegen_flags: <defaults>
</compile_context>

<pallas_src>
import functools

import jax
import jax.numpy as jnp
from jax import lax
from jax.experimental import pallas as pl
from jax.experimental.pallas import tpu as pltpu
from jax.experimental.pallas import tpu_sc as plsc

N_NODES = 10000
N_EDGES = 320000
IN_CH = 128
HID_CH = 256
OUT_CH = 128

NC = 2
NS = 16
NW = NC * NS
NPAD = 10240
RPT = NPAD // NS
K = 80
EPW = N_EDGES // NW
NCHW = EPW // K
DW = 8

EPAD = 10240
NIR = 80
KH = 64

_MESH = dict(core_axis_name="c", subcore_axis_name="s",
             num_cores=NC, num_subcores=NS)


def _writeback(acc, out0, out1, c, s):
    @pl.when(c == 0)
    def _():
        pltpu.sync_copy(acc.at[pl.ds(s * RPT, RPT)],
                        out0.at[pl.ds(s * RPT, RPT)])

    @pl.when(c == 1)
    def _():
        pltpu.sync_copy(acc.at[pl.ds(s * RPT, RPT)],
                        out1.at[pl.ds(s * RPT, RPT)])



@functools.cache
def _make_deg():
    return functools.partial(
        pl.kernel,
        out_type=[
            jax.ShapeDtypeStruct((NPAD, 128), jnp.float32),
            jax.ShapeDtypeStruct((NPAD, 128), jnp.float32),
        ],
        mesh=plsc.VectorSubcoreMesh(**_MESH),
        scratch_types=[
            pltpu.VMEM((NCHW, K), jnp.int32),
            pltpu.VMEM((K, 128), jnp.float32),
            pltpu.VMEM((K, 128), jnp.float32),
            pltpu.VMEM_SHARED((NPAD, 128), jnp.float32),
        ],
    )(_deg_body)


def _deg_body(dstw, ones_h, zero_h, deg0, deg1, dst_v, ones_v, zero_v, acc):
    c = lax.axis_index("c")
    s = lax.axis_index("s")
    wid = s * NC + c
    pltpu.sync_copy(dstw.at[wid], dst_v)
    pltpu.sync_copy(ones_h, ones_v)
    pltpu.sync_copy(zero_h, zero_v)
    for z in range(RPT // K):
        pltpu.sync_copy(zero_v, acc.at[pl.ds(s * RPT + z * K, K)])
    plsc.subcore_barrier()

    def body(j, carry):
        pltpu.sync_copy(ones_v, acc.at[dst_v.at[j]], add=True)
        return carry

    lax.fori_loop(0, NCHW, body, 0)
    plsc.subcore_barrier()
    _writeback(acc, deg0, deg1, c, s)



@functools.cache
def _make_agg():

    @functools.partial(
        pl.kernel,
        out_type=[
            jax.ShapeDtypeStruct((NPAD, IN_CH), jnp.float32),
            jax.ShapeDtypeStruct((NPAD, IN_CH), jnp.float32),
        ],
        mesh=plsc.VectorSubcoreMesh(**_MESH),
        scratch_types=[
            pltpu.VMEM((NIR, 128), jnp.int32),
            pltpu.VMEM((NIR, 128), jnp.int32),
            pltpu.VMEM((KH, IN_CH), jnp.float32),
            pltpu.VMEM((KH, IN_CH), jnp.float32),
            pltpu.SemaphoreType.DMA,
            pltpu.SemaphoreType.DMA,
            pltpu.VMEM_SHARED((NPAD, IN_CH), jnp.float32),
        ],
    )
    def agg(tbl, srcw, dstw, zero_h, out0, out1,
            src_v, dst_v, buf_a, buf_b, sem_a, sem_b, acc):
        c = lax.axis_index("c")
        s = lax.axis_index("s")
        wid = s * NC + c
        pltpu.sync_copy(srcw.at[wid], src_v)
        pltpu.sync_copy(dstw.at[wid], dst_v)
        pltpu.sync_copy(zero_h, buf_a)
        for z in range(RPT // KH):
            pltpu.sync_copy(buf_a, acc.at[pl.ds(s * RPT + z * KH, KH)])
        plsc.subcore_barrier()

        def ga(r):
            return pltpu.make_async_copy(
                tbl.at[src_v.at[r, pl.ds(0, KH)]], buf_a, sem_a)

        def gb(r):
            return pltpu.make_async_copy(
                tbl.at[src_v.at[r, pl.ds(KH, KH)]], buf_b, sem_b)

        ga(0).start()

        def body(r, carry):
            ga(r).wait()
            gb(r).start()
            pltpu.sync_copy(buf_a, acc.at[dst_v.at[r, pl.ds(0, KH)]],
                            add=True)
            gb(r).wait()
            ga(r + 1).start()
            pltpu.sync_copy(buf_b, acc.at[dst_v.at[r, pl.ds(KH, KH)]],
                            add=True)
            return carry

        lax.fori_loop(0, NIR - 1, body, 0)
        rl = NIR - 1
        ga(rl).wait()
        gb(rl).start()
        pltpu.sync_copy(buf_a, acc.at[dst_v.at[rl, pl.ds(0, KH)]], add=True)
        gb(rl).wait()
        pltpu.sync_copy(buf_b, acc.at[dst_v.at[rl, pl.ds(KH, KH)]], add=True)
        plsc.subcore_barrier()
        _writeback(acc, out0, out1, c, s)

    return agg



_RB = 1000
_GRID = N_NODES // _RB
_ROW = lambda i: (i, 0)
_ALL = lambda i: (0, 0)


def _dinv_of(d0_ref, d1_ref):
    deg = d0_ref[:, 0] + d1_ref[:, 0] + 1.0
    return lax.rsqrt(deg)


def _tc_a_body(x_ref, w1_ref, d0_ref, d1_ref, b1_ref, u_ref, self_ref):
    dinv = _dinv_of(d0_ref, d1_ref)[:, None]
    u_ref[...] = x_ref[...] * dinv
    xw = jnp.dot(x_ref[...], w1_ref[...], preferred_element_type=jnp.float32)
    self_ref[...] = xw * (dinv * dinv) + b1_ref[...]


def _tc_a(x, W1, d0, d1, b1):
    return pl.pallas_call(
        _tc_a_body,
        grid=(_GRID,),
        in_specs=[
            pl.BlockSpec((_RB, IN_CH), _ROW),
            pl.BlockSpec((IN_CH, HID_CH), _ALL),
            pl.BlockSpec((_RB, DW), _ROW),
            pl.BlockSpec((_RB, DW), _ROW),
            pl.BlockSpec((1, HID_CH), _ALL),
        ],
        out_specs=[pl.BlockSpec((_RB, IN_CH), _ROW),
                   pl.BlockSpec((_RB, HID_CH), _ROW)],
        out_shape=[jax.ShapeDtypeStruct((N_NODES, IN_CH), jnp.float32),
                   jax.ShapeDtypeStruct((N_NODES, HID_CH), jnp.float32)],
    )(x, W1, d0, d1, b1)


def _tc_b_body(p0_ref, p1_ref, self_ref, d0_ref, d1_ref, w1_ref, w2_ref,
               b2_ref, y2_ref, self2_ref):
    dinv = _dinv_of(d0_ref, d1_ref)[:, None]
    s1 = p0_ref[...] + p1_ref[...]
    agg = jnp.dot(s1, w1_ref[...], preferred_element_type=jnp.float32)
    h = jnp.maximum(agg * dinv + self_ref[...], 0.0)
    xw2 = jnp.dot(h, w2_ref[...], preferred_element_type=jnp.float32)
    y2 = xw2 * dinv
    y2_ref[...] = y2
    self2_ref[...] = y2 * dinv + b2_ref[...]


def _tc_b(p0, p1, selft, d0, d1, W1, W2, b2):
    return pl.pallas_call(
        _tc_b_body,
        grid=(_GRID,),
        in_specs=[
            pl.BlockSpec((_RB, IN_CH), _ROW),
            pl.BlockSpec((_RB, IN_CH), _ROW),
            pl.BlockSpec((_RB, HID_CH), _ROW),
            pl.BlockSpec((_RB, DW), _ROW),
            pl.BlockSpec((_RB, DW), _ROW),
            pl.BlockSpec((IN_CH, HID_CH), _ALL),
            pl.BlockSpec((HID_CH, OUT_CH), _ALL),
            pl.BlockSpec((1, OUT_CH), _ALL),
        ],
        out_specs=[pl.BlockSpec((_RB, OUT_CH), _ROW),
                   pl.BlockSpec((_RB, OUT_CH), _ROW)],
        out_shape=[jax.ShapeDtypeStruct((N_NODES, OUT_CH), jnp.float32),
                   jax.ShapeDtypeStruct((N_NODES, OUT_CH), jnp.float32)],
    )(p0, p1, selft, d0, d1, W1, W2, b2)


def _tc_c_body(q0_ref, q1_ref, self2_ref, d0_ref, d1_ref, out_ref):
    dinv = _dinv_of(d0_ref, d1_ref)[:, None]
    out_ref[...] = (q0_ref[...] + q1_ref[...]) * dinv + self2_ref[...]


def _tc_c(q0, q1, self2, d0, d1):
    return pl.pallas_call(
        _tc_c_body,
        grid=(_GRID,),
        in_specs=[
            pl.BlockSpec((_RB, OUT_CH), _ROW),
            pl.BlockSpec((_RB, OUT_CH), _ROW),
            pl.BlockSpec((_RB, OUT_CH), _ROW),
            pl.BlockSpec((_RB, DW), _ROW),
            pl.BlockSpec((_RB, DW), _ROW),
        ],
        out_specs=pl.BlockSpec((_RB, OUT_CH), _ROW),
        out_shape=jax.ShapeDtypeStruct((N_NODES, OUT_CH), jnp.float32),
    )(q0, q1, self2, d0, d1)



def kernel(x, edge_index, W1, b1, W2, b2):
    ei = edge_index.astype(jnp.int32)
    npd = EPAD - EPW
    jsrc = jnp.broadcast_to((jnp.arange(npd, dtype=jnp.int32) * 41)
                            % N_NODES, (NW, npd))
    jdst = jnp.broadcast_to(N_NODES + jnp.arange(npd, dtype=jnp.int32)
                            % (NPAD - N_NODES), (NW, npd))
    srcw = jnp.concatenate([ei[0].reshape(NW, EPW), jsrc],
                           axis=1).reshape(NW, NIR, 128)
    dstw = jnp.concatenate([ei[1].reshape(NW, EPW), jdst],
                           axis=1).reshape(NW, NIR, 128)
    dstw_deg = ei[1].reshape(NW, NCHW, K)
    ones_h = jnp.ones((K, 128), jnp.float32)
    zdeg_h = jnp.zeros((K, 128), jnp.float32)
    zf32_h = jnp.zeros((KH, IN_CH), jnp.float32)

    agg = _make_agg()
    deg0, deg1 = _make_deg()(dstw_deg, ones_h, zdeg_h)
    d0 = deg0[:N_NODES, :DW]
    d1 = deg1[:N_NODES, :DW]
    u, selft = _tc_a(x, W1, d0, d1, b1.reshape(1, HID_CH))
    p0, p1 = agg(u, srcw, dstw, zf32_h)
    y2, self2 = _tc_b(p0[:N_NODES], p1[:N_NODES], selft, d0, d1, W1, W2,
                      b2.reshape(1, OUT_CH))
    q0, q1 = agg(y2, srcw, dstw, zf32_h)
    return _tc_c(q0[:N_NODES], q1[:N_NODES], self2, d0, d1)

# --- scband reference (transcript-rebuilt; emitter-appended) ---
"""Pipeline reference for scband-gcnencoder-85074712199281 (READ-ONLY COPY).

The authoritative reference and input builder live on the scoring server;
editing this copy changes nothing except your own understanding.
"""

import jax, jax.numpy as jnp
import numpy as np

N_NODES = 10000
N_EDGES = 320000
IN_CH = 128
HID_CH = 256
OUT_CH = 128


def _gcn_conv(x, edge_index, W, b):
    # Faithful PyG GCNConv: add self-loops, symmetric (D^-1/2 A D^-1/2) normalization,
    # linear transform, scatter-add aggregation at dst, then bias.
    n = x.shape[0]
    loops = jnp.arange(n, dtype=edge_index.dtype)
    src = jnp.concatenate([edge_index[0], loops])
    dst = jnp.concatenate([edge_index[1], loops])
    deg = jnp.zeros((n,), dtype=x.dtype).at[dst].add(1.0)
    dinv = jnp.where(deg > 0, 1.0 / jnp.sqrt(deg), 0.0)
    norm = dinv[src] * dinv[dst]
    xw = x @ W
    msg = norm[:, None] * jnp.take(xw, src, axis=0)
    out = jnp.zeros((n, W.shape[1]), dtype=x.dtype).at[dst].add(msg)
    return out + b


def setup_inputs(seed: int = 0) -> dict:
    key = jax.random.key(seed)
    k_x, k_ei, k_w1, k_w2 = jax.random.split(key, 4)
    x = jax.random.normal(k_x, (N_NODES, IN_CH), dtype=jnp.float32)
    edge_index = jax.random.randint(k_ei, (2, N_EDGES), 0, N_NODES, dtype=jnp.int64)
    s1 = 1.0 / np.sqrt(IN_CH)
    s2 = 1.0 / np.sqrt(HID_CH)
    W1 = jax.random.uniform(k_w1, (IN_CH, HID_CH), dtype=jnp.float32, minval=-s1, maxval=s1)
    b1 = jnp.zeros((HID_CH,), dtype=jnp.float32)
    W2 = jax.random.uniform(k_w2, (HID_CH, OUT_CH), dtype=jnp.float32, minval=-s2, maxval=s2)
    b2 = jnp.zeros((OUT_CH,), dtype=jnp.float32)
    return {"x": x, "edge_index": edge_index, "W1": W1, "b1": b1, "W2": W2, "b2": b2}


def reference(x, edge_index, W1, b1, W2, b2):
    h = _gcn_conv(x, edge_index, W1, b1)
    h = jax.nn.relu(h)
    # dropout is identity in eval mode (training=False)
    out = _gcn_conv(h, edge_index, W2, b2)
    return out

if __name__ == "__main__":
    import jax
    _d = setup_inputs()
    print(jax.jit(kernel)(*tuple(_d.values())))

</pallas_src>

<mosaic_0001>
#map = affine_map<(d0, d1) -> (0, 0)>
#map1 = affine_map<(d0, d1) -> (0, 0, 0)>
module attributes {stable_mosaic.version = 14 : i64} {
  func.func @agg(%arg0: i32, %arg1: i32, %arg2: memref<10000x128xf32, #tpu.memory_space<hbm>>, %arg3: memref<32x80x128xi32, #tpu.memory_space<hbm>>, %arg4: memref<32x80x128xi32, #tpu.memory_space<hbm>>, %arg5: memref<64x128xf32, #tpu.memory_space<hbm>>, %arg6: memref<10240x128xf32, #tpu.memory_space<hbm>>, %arg7: memref<10240x128xf32, #tpu.memory_space<hbm>>, %arg8: memref<80x128xi32, #tpu.memory_space<vmem>>, %arg9: memref<80x128xi32, #tpu.memory_space<vmem>>, %arg10: memref<64x128xf32, #tpu.memory_space<vmem>>, %arg11: memref<64x128xf32, #tpu.memory_space<vmem>>, %arg12: memref<!tpu.dma_semaphore, #tpu.memory_space<semaphore_mem>>, %arg13: memref<!tpu.dma_semaphore, #tpu.memory_space<semaphore_mem>>, %arg14: memref<10240x128xf32, #tpu.memory_space<vmem_shared>>) attributes {dimension_semantics = [#tpu.dimension_semantics<core_parallel>, #tpu.dimension_semantics<subcore_parallel>], iteration_bounds = array<i64: 2, 16>, scalar_prefetch = 0 : i64, scratch_operands = 7 : i64, tpu.core_type = #tpu.core_type<sc_vector_subcore>, window_params = [{transform_indices = #map}, {transform_indices = #map1}, {transform_indices = #map1}, {transform_indices = #map}, {transform_indices = #map}, {transform_indices = #map}]} {
    %mul3A = arith.constant 2 : i32
    %mul3A_0 = arith.muli %arg1, %mul3A : i32
    %add3A = arith.addi %mul3A_0, %arg0 : i32
    "tpu.region"() ({
      %run_scoped3A_81 = tpu.sem_alloc : memref<!tpu.dma_semaphore, #tpu.memory_space<semaphore_mem>>
      %dma_start3A_82 = arith.constant 0 : i32
      %dma_start3A_83 = arith.constant 0 : i32
      %dma_start3A_84 = tpu.memref_slice %arg3[%add3A, %dma_start3A_82, %dma_start3A_83] : memref<32x80x128xi32, #tpu.memory_space<hbm>> -> memref<1x80x128xi32, #tpu.memory_space<hbm>>
      %dma_start3A_85 = tpu.memref_squeeze %dma_start3A_84 : memref<1x80x128xi32, #tpu.memory_space<hbm>> -> memref<80x128xi32, #tpu.memory_space<hbm>>
      %dma_start3A_86 = arith.constant 0 : i32
      %dma_start3A_87 = arith.constant 0 : i32
      %dma_start3A_88 = tpu.memref_slice %arg3[%add3A, %dma_start3A_86, %dma_start3A_87] : memref<32x80x128xi32, #tpu.memory_space<hbm>> -> memref<1x80x128xi32, #tpu.memory_space<hbm>>
      %dma_start3A_89 = tpu.memref_squeeze %dma_start3A_88 : memref<1x80x128xi32, #tpu.memory_space<hbm>> -> memref<80x128xi32, #tpu.memory_space<hbm>>
      tpu.enqueue_dma source(%dma_start3A_89 : memref<80x128xi32, #tpu.memory_space<hbm>>) target(%arg8 : memref<80x128xi32, #tpu.memory_space<vmem>>) target_semaphore(%run_scoped3A_81 : memref<!tpu.dma_semaphore, #tpu.memory_space<semaphore_mem>>)
      %dma_wait3A_90 = arith.constant 0 : i32
      %dma_wait3A_91 = arith.constant 0 : i32
      %dma_wait3A_92 = tpu.memref_slice %arg3[%add3A, %dma_wait3A_90, %dma_wait3A_91] : memref<32x80x128xi32, #tpu.memory_space<hbm>> -> memref<1x80x128xi32, #tpu.memory_space<hbm>>
      %dma_wait3A_93 = tpu.memref_squeeze %dma_wait3A_92 : memref<1x80x128xi32, #tpu.memory_space<hbm>> -> memref<80x128xi32, #tpu.memory_space<hbm>>
      %dma_wait3A_94 = arith.constant 0 : i32
      %dma_wait3A_95 = arith.constant 0 : i32
      %dma_wait3A_96 = tpu.memref_slice %arg3[%add3A, %dma_wait3A_94, %dma_wait3A_95] : memref<32x80x128xi32, #tpu.memory_space<hbm>> -> memref<1x80x128xi32, #tpu.memory_space<hbm>>
      %dma_wait3A_97 = tpu.memref_squeeze %dma_wait3A_96 : memref<1x80x128xi32, #tpu.memory_space<hbm>> -> memref<80x128xi32, #tpu.memory_space<hbm>>
      tpu.wait_dma2 semaphore(%run_scoped3A_81 : memref<!tpu.dma_semaphore, #tpu.memory_space<semaphore_mem>>) src(%dma_wait3A_97 : memref<80x128xi32, #tpu.memory_space<hbm>>) dst(%arg8 : memref<80x128xi32, #tpu.memory_space<vmem>>)
      tpu.yield
    }) : () -> ()
    "tpu.region"() ({
      %run_scoped3A_81 = tpu.sem_alloc : memref<!tpu.dma_semaphore, #tpu.memory_space<semaphore_mem>>
      %dma_start3A_82 = arith.constant 0 : i32
      %dma_start3A_83 = arith.constant 0 : i32
      %dma_start3A_84 = tpu.memref_slice %arg4[%add3A, %dma_start3A_82, %dma_start3A_83] : memref<32x80x128xi32, #tpu.memory_space<hbm>> -> memref<1x80x128xi32, #tpu.memory_space<hbm>>
      %dma_start3A_85 = tpu.memref_squeeze %dma_start3A_84 : memref<1x80x128xi32, #tpu.memory_space<hbm>> -> memref<80x128xi32, #tpu.memory_space<hbm>>
      %dma_start3A_86 = arith.constant 0 : i32
      %dma_start3A_87 = arith.constant 0 : i32
      %dma_start3A_88 = tpu.memref_slice %arg4[%add3A, %dma_start3A_86, %dma_start3A_87] : memref<32x80x128xi32, #tpu.memory_space<hbm>> -> memref<1x80x128xi32, #tpu.memory_space<hbm>>
      %dma_start3A_89 = tpu.memref_squeeze %dma_start3A_88 : memref<1x80x128xi32, #tpu.memory_space<hbm>> -> memref<80x128xi32, #tpu.memory_space<hbm>>
      tpu.enqueue_dma source(%dma_start3A_89 : memref<80x128xi32, #tpu.memory_space<hbm>>) target(%arg9 : memref<80x128xi32, #tpu.memory_space<vmem>>) target_semaphore(%run_scoped3A_81 : memref<!tpu.dma_semaphore, #tpu.memory_space<semaphore_mem>>)
      %dma_wait3A_90 = arith.constant 0 : i32
      %dma_wait3A_91 = arith.constant 0 : i32
      %dma_wait3A_92 = tpu.memref_slice %arg4[%add3A, %dma_wait3A_90, %dma_wait3A_91] : memref<32x80x128xi32, #tpu.memory_space<hbm>> -> memref<1x80x128xi32, #tpu.memory_space<hbm>>
      %dma_wait3A_93 = tpu.memref_squeeze %dma_wait3A_92 : memref<1x80x128xi32, #tpu.memory_space<hbm>> -> memref<80x128xi32, #tpu.memory_space<hbm>>
      %dma_wait3A_94 = arith.constant 0 : i32
      %dma_wait3A_95 = arith.constant 0 : i32
      %dma_wait3A_96 = tpu.memref_slice %arg4[%add3A, %dma_wait3A_94, %dma_wait3A_95] : memref<32x80x128xi32, #tpu.memory_space<hbm>> -> memref<1x80x128xi32, #tpu.memory_space<hbm>>
      %dma_wait3A_97 = tpu.memref_squeeze %dma_wait3A_96 : memref<1x80x128xi32, #tpu.memory_space<hbm>> -> memref<80x128xi32, #tpu.memory_space<hbm>>
      tpu.wait_dma2 semaphore(%run_scoped3A_81 : memref<!tpu.dma_semaphore, #tpu.memory_space<semaphore_mem>>) src(%dma_wait3A_97 : memref<80x128xi32, #tpu.memory_space<hbm>>) dst(%arg9 : memref<80x128xi32, #tpu.memory_space<vmem>>)
      tpu.yield
    }) : () -> ()
    "tpu.region"() ({
      %run_scoped3A_81 = tpu.sem_alloc : memref<!tpu.dma_semaphore, #tpu.memory_space<semaphore_mem>>
      tpu.enqueue_dma source(%arg5 : memref<64x128xf32, #tpu.memory_space<hbm>>) target(%arg10 : memref<64x128xf32, #tpu.memory_space<vmem>>) target_semaphore(%run_scoped3A_81 : memref<!tpu.dma_semaphore, #tpu.memory_space<semaphore_mem>>)
      tpu.wait_dma2 semaphore(%run_scoped3A_81 : memref<!tpu.dma_semaphore, #tpu.memory_space<semaphore_mem>>) src(%arg5 : memref<64x128xf32, #tpu.memory_space<hbm>>) dst(%arg10 : memref<64x128xf32, #tpu.memory_space<vmem>>)
      tpu.yield
    }) : () -> ()
    %mul3A_1 = arith.constant 640 : i32
    %mul3A_2 = arith.muli %arg1, %mul3A_1 : i32
    %add3A_3 = arith.constant 0 : i32
    %add3A_4 = arith.addi %mul3A_2, %add3A_3 : i32
    "tpu.region"() ({
      %run_scoped3A_81 = tpu.sem_alloc : memref<!tpu.dma_semaphore, #tpu.memory_space<semaphore_mem>>
      %dma_start3A_82 = arith.constant 0 : i32
      %dma_start3A_83 = tpu.memref_slice %arg14[%add3A_4, %dma_start3A_82] : memref<10240x128xf32, #tpu.memory_space<vmem_shared>> -> memref<64x128xf32, #tpu.memory_space<vmem_shared>>
      %dma_start3A_84 = arith.constant 0 : i32
      %dma_start3A_85 = tpu.memref_slice %arg14[%add3A_4, %dma_start3A_84] : memref<10240x128xf32, #tpu.memory_space<vmem_shared>> -> memref<64x128xf32, #tpu.memory_space<vmem_shared>>
      tpu.enqueue_dma source(%arg10 : memref<64x128xf32, #tpu.memory_space<vmem>>) target(%dma_start3A_85 : memref<64x128xf32, #tpu.memory_space<vmem_shared>>) target_semaphore(%run_scoped3A_81 : memref<!tpu.dma_semaphore, #tpu.memory_space<semaphore_mem>>)
      %dma_wait3A_86 = arith.constant 0 : i32
      %dma_wait3A_87 = tpu.memref_slice %arg14[%add3A_4, %dma_wait3A_86] : memref<10240x128xf32, #tpu.memory_space<vmem_shared>> -> memref<64x128xf32, #tpu.memory_space<vmem_shared>>
      %dma_wait3A_88 = arith.constant 0 : i32
      %dma_wait3A_89 = tpu.memref_slice %arg14[%add3A_4, %dma_wait3A_88] : memref<10240x128xf32, #tpu.memory_space<vmem_shared>> -> memref<64x128xf32, #tpu.memory_space<vmem_shared>>
      tpu.wait_dma2 semaphore(%run_scoped3A_81 : memref<!tpu.dma_semaphore, #tpu.memory_space<semaphore_mem>>) src(%arg10 : memref<64x128xf32, #tpu.memory_space<vmem>>) dst(%dma_wait3A_89 : memref<64x128xf32, #tpu.memory_space<vmem_shared>>)
      tpu.yield
    }) : () -> ()
    %mul3A_5 = arith.constant 640 : i32
    %mul3A_6 = arith.muli %arg1, %mul3A_5 : i32
    %add3A_7 = arith.constant 64 : i32
    %add3A_8 = arith.addi %mul3A_6, %add3A_7 : i32
    "tpu.region"() ({
      %run_scoped3A_81 = tpu.sem_alloc : memref<!tpu.dma_semaphore, #tpu.memory_space<semaphore_mem>>
      %dma_start3A_82 = arith.constant 0 : i32
      %dma_start3A_83 = tpu.memref_slice %arg14[%add3A_8, %dma_start3A_82] : memref<10240x128xf32, #tpu.memory_space<vmem_shared>> -> memref<64x128xf32, #tpu.memory_space<vmem_shared>>
      %dma_start3A_84 = arith.constant 0 : i32
      %dma_start3A_85 = tpu.memref_slice %arg14[%add3A_8, %dma_start3A_84] : memref<10240x128xf32, #tpu.memory_space<vmem_shared>> -> memref<64x128xf32, #tpu.memory_space<vmem_shared>>
      tpu.enqueue_dma source(%arg10 : memref<64x128xf32, #tpu.memory_space<vmem>>) target(%dma_start3A_85 : memref<64x128xf32, #tpu.memory_space<vmem_shared>>) target_semaphore(%run_scoped3A_81 : memref<!tpu.dma_semaphore, #tpu.memory_space<semaphore_mem>>)
      %dma_wait3A_86 = arith.constant 0 : i32
      %dma_wait3A_87 = tpu.memref_slice %arg14[%add3A_8, %dma_wait3A_86] : memref<10240x128xf32, #tpu.memory_space<vmem_shared>> -> memref<64x128xf32, #tpu.memory_space<vmem_shared>>
      %dma_wait3A_88 = arith.constant 0 : i32
      %dma_wait3A_89 = tpu.memref_slice %arg14[%add3A_8, %dma_wait3A_88] : memref<10240x128xf32, #tpu.memory_space<vmem_shared>> -> memref<64x128xf32, #tpu.memory_space<vmem_shared>>
      tpu.wait_dma2 semaphore(%run_scoped3A_81 : memref<!tpu.dma_semaphore, #tpu.memory_space<semaphore_mem>>) src(%arg10 : memref<64x128xf32, #tpu.memory_space<vmem>>) dst(%dma_wait3A_89 : memref<64x128xf32, #tpu.memory_space<vmem_shared>>)
      tpu.yield
    }) : () -> ()
    %mul3A_9 = arith.constant 640 : i32
    %mul3A_10 = arith.muli %arg1, %mul3A_9 : i32
    %add3A_11 = arith.constant 128 : i32
    %add3A_12 = arith.addi %mul3A_10, %add3A_11 : i32
    "tpu.region"() ({
      %run_scoped3A_81 = tpu.sem_alloc : memref<!tpu.dma_semaphore, #tpu.memory_space<semaphore_mem>>
      %dma_start3A_82 = arith.constant 0 : i32
      %dma_start3A_83 = tpu.memref_slice %arg14[%add3A_12, %dma_start3A_82] : memref<10240x128xf32, #tpu.memory_space<vmem_shared>> -> memref<64x128xf32, #tpu.memory_space<vmem_shared>>
      %dma_start3A_84 = arith.constant 0 : i32
      %dma_start3A_85 = tpu.memref_slice %arg14[%add3A_12, %dma_start3A_84] : memref<10240x128xf32, #tpu.memory_space<vmem_shared>> -> memref<64x128xf32, #tpu.memory_space<vmem_shared>>
      tpu.enqueue_dma source(%arg10 : memref<64x128xf32, #tpu.memory_space<vmem>>) target(%dma_start3A_85 : memref<64x128xf32, #tpu.memory_space<vmem_shared>>) target_semaphore(%run_scoped3A_81 : memref<!tpu.dma_semaphore, #tpu.memory_space<semaphore_mem>>)
      %dma_wait3A_86 = arith.constant 0 : i32
      %dma_wait3A_87 = tpu.memref_slice %arg14[%add3A_12, %dma_wait3A_86] : memref<10240x128xf32, #tpu.memory_space<vmem_shared>> -> memref<64x128xf32, #tpu.memory_space<vmem_shared>>
      %dma_wait3A_88 = arith.constant 0 : i32
      %dma_wait3A_89 = tpu.memref_slice %arg14[%add3A_12, %dma_wait3A_88] : memref<10240x128xf32, #tpu.memory_space<vmem_shared>> -> memref<64x128xf32, #tpu.memory_space<vmem_shared>>
      tpu.wait_dma2 semaphore(%run_scoped3A_81 : memref<!tpu.dma_semaphore, #tpu.memory_space<semaphore_mem>>) src(%arg10 : memref<64x128xf32, #tpu.memory_space<vmem>>) dst(%dma_wait3A_89 : memref<64x128xf32, #tpu.memory_space<vmem_shared>>)
      tpu.yield
    }) : () -> ()
    %mul3A_13 = arith.constant 640 : i32
    %mul3A_14 = arith.muli %arg1, %mul3A_13 : i32
    %add3A_15 = arith.constant 192 : i32
    %add3A_16 = arith.addi %mul3A_14, %add3A_15 : i32
    "tpu.region"() ({
      %run_scoped3A_81 = tpu.sem_alloc : memref<!tpu.dma_semaphore, #tpu.memory_space<semaphore_mem>>
      %dma_start3A_82 = arith.constant 0 : i32
      %dma_start3A_83 = tpu.memref_slice %arg14[%add3A_16, %dma_start3A_82] : memref<10240x128xf32, #tpu.memory_space<vmem_shared>> -> memref<64x128xf32, #tpu.memory_space<vmem_shared>>
      %dma_start3A_84 = arith.constant 0 : i32
      %dma_start3A_85 = tpu.memref_slice %arg14[%add3A_16, %dma_start3A_84] : memref<10240x128xf32, #tpu.memory_space<vmem_shared>> -> memref<64x128xf32, #tpu.memory_space<vmem_shared>>
      tpu.enqueue_dma source(%arg10 : memref<64x128xf32, #tpu.memory_space<vmem>>) target(%dma_start3A_85 : memref<64x128xf32, #tpu.memory_space<vmem_shared>>) target_semaphore(%run_scoped3A_81 : memref<!tpu.dma_semaphore, #tpu.memory_space<semaphore_mem>>)
      %dma_wait3A_86 = arith.constant 0 : i32
      %dma_wait3A_87 = tpu.memref_slice %arg14[%add3A_16, %dma_wait3A_86] : memref<10240x128xf32, #tpu.memory_space<vmem_shared>> -> memref<64x128xf32, #tpu.memory_space<vmem_shared>>
      %dma_wait3A_88 = arith.constant 0 : i32
      %dma_wait3A_89 = tpu.memref_slice %arg14[%add3A_16, %dma_wait3A_88] : memref<10240x128xf32, #tpu.memory_space<vmem_shared>> -> memref<64x128xf32, #tpu.memory_space<vmem_shared>>
      tpu.wait_dma2 semaphore(%run_scoped3A_81 : memref<!tpu.dma_semaphore, #tpu.memory_space<semaphore_mem>>) src(%arg10 : memref<64x128xf32, #tpu.memory_space<vmem>>) dst(%dma_wait3A_89 : memref<64x128xf32, #tpu.memory_space<vmem_shared>>)
      tpu.yield
    }) : () -> ()
    %mul3A_17 = arith.constant 640 : i32
    %mul3A_18 = arith.muli %arg1, %mul3A_17 : i32
    %add3A_19 = arith.constant 256 : i32
    %add3A_20 = arith.addi %mul3A_18, %add3A_19 : i32
    "tpu.region"() ({
      %run_scoped3A_81 = tpu.sem_alloc : memref<!tpu.dma_semaphore, #tpu.memory_space<semaphore_mem>>
      %dma_start3A_82 = arith.constant 0 : i32
      %dma_start3A_83 = tpu.memref_slice %arg14[%add3A_20, %dma_start3A_82] : memref<10240x128xf32, #tpu.memory_space<vmem_shared>> -> memref<64x128xf32, #tpu.memory_space<vmem_shared>>
      %dma_start3A_84 = arith.constant 0 : i32
      %dma_start3A_85 = tpu.memref_slice %arg14[%add3A_20, %dma_start3A_84] : memref<10240x128xf32, #tpu.memory_space<vmem_shared>> -> memref<64x128xf32, #tpu.memory_space<vmem_shared>>
      tpu.enqueue_dma source(%arg10 : memref<64x128xf32, #tpu.memory_space<vmem>>) target(%dma_start3A_85 : memref<64x128xf32, #tpu.memory_space<vmem_shared>>) target_semaphore(%run_scoped3A_81 : memref<!tpu.dma_semaphore, #tpu.memory_space<semaphore_mem>>)
      %dma_wait3A_86 = arith.constant 0 : i32
      %dma_wait3A_87 = tpu.memref_slice %arg14[%add3A_20, %dma_wait3A_86] : memref<10240x128xf32, #tpu.memory_space<vmem_shared>> -> memref<64x128xf32, #tpu.memory_space<vmem_shared>>
      %dma_wait3A_88 = arith.constant 0 : i32
      %dma_wait3A_89 = tpu.memref_slice %arg14[%add3A_20, %dma_wait3A_88] : memref<10240x128xf32, #tpu.memory_space<vmem_shared>> -> memref<64x128xf32, #tpu.memory_space<vmem_shared>>
      tpu.wait_dma2 semaphore(%run_scoped3A_81 : memref<!tpu.dma_semaphore, #tpu.memory_space<semaphore_mem>>) src(%arg10 : memref<64x128xf32, #tpu.memory_space<vmem>>) dst(%dma_wait3A_89 : memref<64x128xf32, #tpu.memory_space<vmem_shared>>)
      tpu.yield
    }) : () -> ()
    %mul3A_21 = arith.constant 640 : i32
    %mul3A_22 = arith.muli %arg1, %mul3A_21 : i32
    %add3A_23 = arith.constant 320 : i32
    %add3A_24 = arith.addi %mul3A_22, %add3A_23 : i32
    "tpu.region"() ({
      %run_scoped3A_81 = tpu.sem_alloc : memref<!tpu.dma_semaphore, #tpu.memory_space<semaphore_mem>>
      %dma_start3A_82 = arith.constant 0 : i32
      %dma_start3A_83 = tpu.memref_slice %arg14[%add3A_24, %dma_start3A_82] : memref<10240x128xf32, #tpu.memory_space<vmem_shared>> -> memref<64x128xf32, #tpu.memory_space<vmem_shared>>
      %dma_start3A_84 = arith.constant 0 : i32
      %dma_start3A_85 = tpu.memref_slice %arg14[%add3A_24, %dma_start3A_84] : memref<10240x128xf32, #tpu.memory_space<vmem_shared>> -> memref<64x128xf32, #tpu.memory_space<vmem_shared>>
      tpu.enqueue_dma source(%arg10 : memref<64x128xf32, #tpu.memory_space<vmem>>) target(%dma_start3A_85 : memref<64x128xf32, #tpu.memory_space<vmem_shared>>) target_semaphore(%run_scoped3A_81 : memref<!tpu.dma_semaphore, #tpu.memory_space<semaphore_mem>>)
      %dma_wait3A_86 = arith.constant 0 : i32
      %dma_wait3A_87 = tpu.memref_slice %arg14[%add3A_24, %dma_wait3A_86] : memref<10240x128xf32, #tpu.memory_space<vmem_shared>> -> memref<64x128xf32, #tpu.memory_space<vmem_shared>>
      %dma_wait3A_88 = arith.constant 0 : i32
      %dma_wait3A_89 = tpu.memref_slice %arg14[%add3A_24, %dma_wait3A_88] : memref<10240x128xf32, #tpu.memory_space<vmem_shared>> -> memref<64x128xf32, #tpu.memory_space<vmem_shared>>
      tpu.wait_dma2 semaphore(%run_scoped3A_81 : memref<!tpu.dma_semaphore, #tpu.memory_space<semaphore_mem>>) src(%arg10 : memref<64x128xf32, #tpu.memory_space<vmem>>) dst(%dma_wait3A_89 : memref<64x128xf32, #tpu.memory_space<vmem_shared>>)
      tpu.yield
    }) : () -> ()
    %mul3A_25 = arith.constant 640 : i32
    %mul3A_26 = arith.muli %arg1, %mul3A_25 : i32
    %add3A_27 = arith.constant 384 : i32
    %add3A_28 = arith.addi %mul3A_26, %add3A_27 : i32
    "tpu.region"() ({
      %run_scoped3A_81 = tpu.sem_alloc : memref<!tpu.dma_semaphore, #tpu.memory_space<semaphore_mem>>
      %dma_start3A_82 = arith.constant 0 : i32
      %dma_start3A_83 = tpu.memref_slice %arg14[%add3A_28, %dma_start3A_82] : memref<10240x128xf32, #tpu.memory_space<vmem_shared>> -> memref<64x128xf32, #tpu.memory_space<vmem_shared>>
      %dma_start3A_84 = arith.constant 0 : i32
      %dma_start3A_85 = tpu.memref_slice %arg14[%add3A_28, %dma_start3A_84] : memref<10240x128xf32, #tpu.memory_space<vmem_shared>> -> memref<64x128xf32, #tpu.memory_space<vmem_shared>>
      tpu.enqueue_dma source(%arg10 : memref<64x128xf32, #tpu.memory_space<vmem>>) target(%dma_start3A_85 : memref<64x128xf32, #tpu.memory_space<vmem_shared>>) target_semaphore(%run_scoped3A_81 : memref<!tpu.dma_semaphore, #tpu.memory_space<semaphore_mem>>)
      %dma_wait3A_86 = arith.constant 0 : i32
      %dma_wait3A_87 = tpu.memref_slice %arg14[%add3A_28, %dma_wait3A_86] : memref<10240x128xf32, #tpu.memory_space<vmem_shared>> -> memref<64x128xf32, #tpu.memory_space<vmem_shared>>
      %dma_wait3A_88 = arith.constant 0 : i32
      %dma_wait3A_89 = tpu.memref_slice %arg14[%add3A_28, %dma_wait3A_88] : memref<10240x128xf32, #tpu.memory_space<vmem_shared>> -> memref<64x128xf32, #tpu.memory_space<vmem_shared>>
      tpu.wait_dma2 semaphore(%run_scoped3A_81 : memref<!tpu.dma_semaphore, #tpu.memory_space<semaphore_mem>>) src(%arg10 : memref<64x128xf32, #tpu.memory_space<vmem>>) dst(%dma_wait3A_89 : memref<64x128xf32, #tpu.memory_space<vmem_shared>>)
      tpu.yield
    }) : () -> ()
    %mul3A_29 = arith.constant 640 : i32
    %mul3A_30 = arith.muli %arg1, %mul3A_29 : i32
    %add3A_31 = arith.constant 448 : i32
    %add3A_32 = arith.addi %mul3A_30, %add3A_31 : i32
    "tpu.region"() ({
      %run_scoped3A_81 = tpu.sem_alloc : memref<!tpu.dma_semaphore, #tpu.memory_space<semaphore_mem>>
      %dma_start3A_82 = arith.constant 0 : i32
      %dma_start3A_83 = tpu.memref_slice %arg14[%add3A_32, %dma_start3A_82] : memref<10240x128xf32, #tpu.memory_space<vmem_shared>> -> memref<64x128xf32, #tpu.memory_space<vmem_shared>>
      %dma_start3A_84 = arith.constant 0 : i32
      %dma_start3A_85 = tpu.memref_slice %arg14[%add3A_32, %dma_start3A_84] : memref<10240x128xf32, #tpu.memory_space<vmem_shared>> -> memref<64x128xf32, #tpu.memory_space<vmem_shared>>
      tpu.enqueue_dma source(%arg10 : memref<64x128xf32, #tpu.memory_space<vmem>>) target(%dma_start3A_85 : memref<64x128xf32, #tpu.memory_space<vmem_shared>>) target_semaphore(%run_scoped3A_81 : memref<!tpu.dma_semaphore, #tpu.memory_space<semaphore_mem>>)
      %dma_wait3A_86 = arith.constant 0 : i32
      %dma_wait3A_87 = tpu.memref_slice %arg14[%add3A_32, %dma_wait3A_86] : memref<10240x128xf32, #tpu.memory_space<vmem_shared>> -> memref<64x128xf32, #tpu.memory_space<vmem_shared>>
      %dma_wait3A_88 = arith.constant 0 : i32
      %dma_wait3A_89 = tpu.memref_slice %arg14[%add3A_32, %dma_wait3A_88] : memref<10240x128xf32, #tpu.memory_space<vmem_shared>> -> memref<64x128xf32, #tpu.memory_space<vmem_shared>>
      tpu.wait_dma2 semaphore(%run_scoped3A_81 : memref<!tpu.dma_semaphore, #tpu.memory_space<semaphore_mem>>) src(%arg10 : memref<64x128xf32, #tpu.memory_space<vmem>>) dst(%dma_wait3A_89 : memref<64x128xf32, #tpu.memory_space<vmem_shared>>)
      tpu.yield
    }) : () -> ()
    %mul3A_33 = arith.constant 640 : i32
    %mul3A_34 = arith.muli %arg1, %mul3A_33 : i32
    %add3A_35 = arith.constant 512 : i32
    %add3A_36 = arith.addi %mul3A_34, %add3A_35 : i32
    "tpu.region"() ({
      %run_scoped3A_81 = tpu.sem_alloc : memref<!tpu.dma_semaphore, #tpu.memory_space<semaphore_mem>>
      %dma_start3A_82 = arith.constant 0 : i32
      %dma_start3A_83 = tpu.memref_slice %arg14[%add3A_36, %dma_start3A_82] : memref<10240x128xf32, #tpu.memory_space<vmem_shared>> -> memref<64x128xf32, #tpu.memory_space<vmem_shared>>
      %dma_start3A_84 = arith.constant 0 : i32
      %dma_start3A_85 = tpu.memref_slice %arg14[%add3A_36, %dma_start3A_84] : memref<10240x128xf32, #tpu.memory_space<vmem_shared>> -> memref<64x128xf32, #tpu.memory_space<vmem_shared>>
      tpu.enqueue_dma source(%arg10 : memref<64x128xf32, #tpu.memory_space<vmem>>) target(%dma_start3A_85 : memref<64x128xf32, #tpu.memory_space<vmem_shared>>) target_semaphore(%run_scoped3A_81 : memref<!tpu.dma_semaphore, #tpu.memory_space<semaphore_mem>>)
      %dma_wait3A_86 = arith.constant 0 : i32
      %dma_wait3A_87 = tpu.memref_slice %arg14[%add3A_36, %dma_wait3A_86] : memref<10240x128xf32, #tpu.memory_space<vmem_shared>> -> memref<64x128xf32, #tpu.memory_space<vmem_shared>>
      %dma_wait3A_88 = arith.constant 0 : i32
      %dma_wait3A_89 = tpu.memref_slice %arg14[%add3A_36, %dma_wait3A_88] : memref<10240x128xf32, #tpu.memory_space<vmem_shared>> -> memref<64x128xf32, #tpu.memory_space<vmem_shared>>
      tpu.wait_dma2 semaphore(%run_scoped3A_81 : memref<!tpu.dma_semaphore, #tpu.memory_space<semaphore_mem>>) src(%arg10 : memref<64x128xf32, #tpu.memory_space<vmem>>) dst(%dma_wait3A_89 : memref<64x128xf32, #tpu.memory_space<vmem_shared>>)
      tpu.yield
    }) : () -> ()
    %mul3A_37 = arith.constant 640 : i32
    %mul3A_38 = arith.muli %arg1, %mul3A_37 : i32
    %add3A_39 = arith.constant 576 : i32
    %add3A_40 = arith.addi %mul3A_38, %add3A_39 : i32
    "tpu.region"() ({
      %run_scoped3A_81 = tpu.sem_alloc : memref<!tpu.dma_semaphore, #tpu.memory_space<semaphore_mem>>
      %dma_start3A_82 = arith.constant 0 : i32
      %dma_start3A_83 = tpu.memref_slice %arg14[%add3A_40, %dma_start3A_82] : memref<10240x128xf32, #tpu.memory_space<vmem_shared>> -> memref<64x128xf32, #tpu.memory_space<vmem_shared>>
      %dma_start3A_84 = arith.constant 0 : i32
      %dma_start3A_85 = tpu.memref_slice %arg14[%add3A_40, %dma_start3A_84] : memref<10240x128xf32, #tpu.memory_space<vmem_shared>> -> memref<64x128xf32, #tpu.memory_space<vmem_shared>>
      tpu.enqueue_dma source(%arg10 : memref<64x128xf32, #tpu.memory_space<vmem>>) target(%dma_start3A_85 : memref<64x128xf32, #tpu.memory_space<vmem_shared>>) target_semaphore(%run_scoped3A_81 : memref<!tpu.dma_semaphore, #tpu.memory_space<semaphore_mem>>)
      %dma_wait3A_86 = arith.constant 0 : i32
      %dma_wait3A_87 = tpu.memref_slice %arg14[%add3A_40, %dma_wait3A_86] : memref<10240x128xf32, #tpu.memory_space<vmem_shared>> -> memref<64x128xf32, #tpu.memory_space<vmem_shared>>
      %dma_wait3A_88 = arith.constant 0 : i32
      %dma_wait3A_89 = tpu.memref_slice %arg14[%add3A_40, %dma_wait3A_88] : memref<10240x128xf32, #tpu.memory_space<vmem_shared>> -> memref<64x128xf32, #tpu.memory_space<vmem_shared>>
      tpu.wait_dma2 semaphore(%run_scoped3A_81 : memref<!tpu.dma_semaphore, #tpu.memory_space<semaphore_mem>>) src(%arg10 : memref<64x128xf32, #tpu.memory_space<vmem>>) dst(%dma_wait3A_89 : memref<64x128xf32, #tpu.memory_space<vmem_shared>>)
      tpu.yield
    }) : () -> ()
    %barrier3A = arith.constant 0 : index
    tpu.barrier barrier_id(%barrier3A)
    %dma_start3A = arith.constant 0 : i32
    %dma_start3A_41 = arith.constant 0 : i32
    %dma_start3A_42 = tpu.memref_slice %arg8[%dma_start3A, %dma_start3A_41] : memref<80x128xi32, #tpu.memory_space<vmem>> -> memref<1x64xi32, #tpu.memory_space<vmem>>
    %dma_start3A_43 = tpu.memref_squeeze %dma_start3A_42 : memref<1x64xi32, #tpu.memory_space<vmem>> -> memref<64xi32, #tpu.memory_space<vmem>>
    %dma_start3A_44 = arith.constant 0 : i32
    %dma_start3A_45 = arith.constant 0 : i32
    %dma_start3A_46 = tpu.memref_slice %arg2[%dma_start3A_44, %dma_start3A_45] : memref<10000x128xf32, #tpu.memory_space<hbm>> -> memref<10000x128xf32, #tpu.memory_space<hbm>>
    tpu.enqueue_indirect_dma source(%dma_start3A_46 : memref<10000x128xf32, #tpu.memory_space<hbm>>) target(%arg10 : memref<64x128xf32, #tpu.memory_space<vmem>>) offsets(%dma_start3A_43 : memref<64xi32, #tpu.memory_space<vmem>>) semaphore(%arg12 : memref<!tpu.dma_semaphore, #tpu.memory_space<semaphore_mem>>)
    %scan3A = arith.constant 0 : i32
    %scan3A_47 = arith.constant 0 : i32
    %scan3A_48 = arith.constant 79 : i32
    %scan3A_49 = arith.addi %scan3A_47, %scan3A_48 : i32
    %scan3A_50 = arith.constant 1 : i32
    scf.for %scan3A_81 = %scan3A_47 to %scan3A_49 step %scan3A_50  : i32 {
      %dma_wait3A_82 = arith.constant 0 : i32
      %dma_wait3A_83 = tpu.memref_slice %arg8[%scan3A_81, %dma_wait3A_82] : memref<80x128xi32, #tpu.memory_space<vmem>> -> memref<1x64xi32, #tpu.memory_space<vmem>>
      %dma_wait3A_84 = tpu.memref_squeeze %dma_wait3A_83 : memref<1x64xi32, #tpu.memory_space<vmem>> -> memref<64xi32, #tpu.memory_space<vmem>>
      %dma_wait3A_85 = arith.constant 0 : i32
      %dma_wait3A_86 = arith.constant 0 : i32
      %dma_wait3A_87 = tpu.memref_slice %arg2[%dma_wait3A_85, %dma_wait3A_86] : memref<10000x128xf32, #tpu.memory_space<hbm>> -> memref<10000x128xf32, #tpu.memory_space<hbm>>
      tpu.wait_indirect_dma semaphore(%arg12 : memref<!tpu.dma_semaphore, #tpu.memory_space<semaphore_mem>>) src(%dma_wait3A_87 : memref<10000x128xf32, #tpu.memory_space<hbm>>) dst(%arg10 : memref<64x128xf32, #tpu.memory_space<vmem>>)
      %dma_start3A_88 = arith.constant 64 : i32
      %dma_start3A_89 = tpu.memref_slice %arg8[%scan3A_81, %dma_start3A_88] : memref<80x128xi32, #tpu.memory_space<vmem>> -> memref<1x64xi32, #tpu.memory_space<vmem>>
      %dma_start3A_90 = tpu.memref_squeeze %dma_start3A_89 : memref<1x64xi32, #tpu.memory_space<vmem>> -> memref<64xi32, #tpu.memory_space<vmem>>
      %dma_start3A_91 = arith.constant 0 : i32
      %dma_start3A_92 = arith.constant 0 : i32
      %dma_start3A_93 = tpu.memref_slice %arg2[%dma_start3A_91, %dma_start3A_92] : memref<10000x128xf32, #tpu.memory_space<hbm>> -> memref<10000x128xf32, #tpu.memory_space<hbm>>
      tpu.enqueue_indirect_dma source(%dma_start3A_93 : memref<10000x128xf32, #tpu.memory_space<hbm>>) target(%arg11 : memref<64x128xf32, #tpu.memory_space<vmem>>) offsets(%dma_start3A_90 : memref<64xi32, #tpu.memory_space<vmem>>) semaphore(%arg13 : memref<!tpu.dma_semaphore, #tpu.memory_space<semaphore_mem>>)
      "tpu.region"() ({
        %run_scoped3A_108 = tpu.sem_alloc : memref<!tpu.dma_semaphore, #tpu.memory_space<semaphore_mem>>
        %dma_start3A_109 = arith.constant 0 : i32
        %dma_start3A_110 = tpu.memref_slice %arg9[%scan3A_81, %dma_start3A_109] : memref<80x128xi32, #tpu.memory_space<vmem>> -> memref<1x64xi32, #tpu.memory_space<vmem>>
        %dma_start3A_111 = tpu.memref_squeeze %dma_start3A_110 : memref<1x64xi32, #tpu.memory_space<vmem>> -> memref<64xi32, #tpu.memory_space<vmem>>
        %dma_start3A_112 = arith.constant 0 : i32
        %dma_start3A_113 = arith.constant 0 : i32
        %dma_start3A_114 = tpu.memref_slice %arg14[%dma_start3A_112, %dma_start3A_113] : memref<10240x128xf32, #tpu.memory_space<vmem_shared>> -> memref<10240x128xf32, #tpu.memory_space<vmem_shared>>
        tpu.enqueue_indirect_dma source(%arg10 : memref<64x128xf32, #tpu.memory_space<vmem>>) target(%dma_start3A_114 : memref<10240x128xf32, #tpu.memory_space<vmem_shared>>) offsets(%dma_start3A_111 : memref<64xi32, #tpu.memory_space<vmem>>) semaphore(%run_scoped3A_108 : memref<!tpu.dma_semaphore, #tpu.memory_space<semaphore_mem>>) {add = true}
        %dma_wait3A_115 = arith.constant 0 : i32
        %dma_wait3A_116 = tpu.memref_slice %arg9[%scan3A_81, %dma_wait3A_115] : memref<80x128xi32, #tpu.memory_space<vmem>> -> memref<1x64xi32, #tpu.memory_space<vmem>>
        %dma_wait3A_117 = tpu.memref_squeeze %dma_wait3A_116 : memref<1x64xi32, #tpu.memory_space<vmem>> -> memref<64xi32, #tpu.memory_space<vmem>>
        %dma_wait3A_118 = arith.constant 0 : i32
        %dma_wait3A_119 = arith.constant 0 : i32
        %dma_wait3A_120 = tpu.memref_slice %arg14[%dma_wait3A_118, %dma_wait3A_119] : memref<10240x128xf32, #tpu.memory_space<vmem_shared>> -> memref<10240x128xf32, #tpu.memory_space<vmem_shared>>
        tpu.wait_indirect_dma semaphore(%run_scoped3A_108 : memref<!tpu.dma_semaphore, #tpu.memory_space<semaphore_mem>>) src(%arg10 : memref<64x128xf32, #tpu.memory_space<vmem>>) dst(%dma_wait3A_120 : memref<10240x128xf32, #tpu.memory_space<vmem_shared>>)
        tpu.yield
      }) : () -> ()
      %dma_wait3A_94 = arith.constant 64 : i32
      %dma_wait3A_95 = tpu.memref_slice %arg8[%scan3A_81, %dma_wait3A_94] : memref<80x128xi32, #tpu.memory_space<vmem>> -> memref<1x64xi32, #tpu.memory_space<vmem>>
      %dma_wait3A_96 = tpu.memref_squeeze %dma_wait3A_95 : memref<1x64xi32, #tpu.memory_space<vmem>> -> memref<64xi32, #tpu.memory_space<vmem>>
      %dma_wait3A_97 = arith.constant 0 : i32
      %dma_wait3A_98 = arith.constant 0 : i32
      %dma_wait3A_99 = tpu.memref_slice %arg2[%dma_wait3A_97, %dma_wait3A_98] : memref<10000x128xf32, #tpu.memory_space<hbm>> -> memref<10000x128xf32, #tpu.memory_space<hbm>>
      tpu.wait_indirect_dma semaphore(%arg13 : memref<!tpu.dma_semaphore, #tpu.memory_space<semaphore_mem>>) src(%dma_wait3A_99 : memref<10000x128xf32, #tpu.memory_space<hbm>>) dst(%arg11 : memref<64x128xf32, #tpu.memory_space<vmem>>)
      %add3A_100 = arith.constant 1 : i32
      %add3A_101 = arith.addi %scan3A_81, %add3A_100 : i32
      %dma_start3A_102 = arith.constant 0 : i32
      %dma_start3A_103 = tpu.memref_slice %arg8[%add3A_101, %dma_start3A_102] : memref<80x128xi32, #tpu.memory_space<vmem>> -> memref<1x64xi32, #tpu.memory_space<vmem>>
      %dma_start3A_104 = tpu.memref_squeeze %dma_start3A_103 : memref<1x64xi32, #tpu.memory_space<vmem>> -> memref<64xi32, #tpu.memory_space<vmem>>
      %dma_start3A_105 = arith.constant 0 : i32
      %dma_start3A_106 = arith.constant 0 : i32
      %dma_start3A_107 = tpu.memref_slice %arg2[%dma_start3A_105, %dma_start3A_106] : memref<10000x128xf32, #tpu.memory_space<hbm>> -> memref<10000x128xf32, #tpu.memory_space<hbm>>
      tpu.enqueue_indirect_dma source(%dma_start3A_107 : memref<10000x128xf32, #tpu.memory_space<hbm>>) target(%arg10 : memref<64x128xf32, #tpu.memory_space<vmem>>) offsets(%dma_start3A_104 : memref<64xi32, #tpu.memory_space<vmem>>) semaphore(%arg12 : memref<!tpu.dma_semaphore, #tpu.memory_space<semaphore_mem>>)
      "tpu.region"() ({
        %run_scoped3A_108 = tpu.sem_alloc : memref<!tpu.dma_semaphore, #tpu.memory_space<semaphore_mem>>
        %dma_start3A_109 = arith.constant 64 : i32
        %dma_start3A_110 = tpu.memref_slice %arg9[%scan3A_81, %dma_start3A_109] : memref<80x128xi32, #tpu.memory_space<vmem>> -> memref<1x64xi32, #tpu.memory_space<vmem>>
        %dma_start3A_111 = tpu.memref_squeeze %dma_start3A_110 : memref<1x64xi32, #tpu.memory_space<vmem>> -> memref<64xi32, #tpu.memory_space<vmem>>
        %dma_start3A_112 = arith.constant 0 : i32
        %dma_start3A_113 = arith.constant 0 : i32
        %dma_start3A_114 = tpu.memref_slice %arg14[%dma_start3A_112, %dma_start3A_113] : memref<10240x128xf32, #tpu.memory_space<vmem_shared>> -> memref<10240x128xf32, #tpu.memory_space<vmem_shared>>
        tpu.enqueue_indirect_dma source(%arg11 : memref<64x128xf32, #tpu.memory_space<vmem>>) target(%dma_start3A_114 : memref<10240x128xf32, #tpu.memory_space<vmem_shared>>) offsets(%dma_start3A_111 : memref<64xi32, #tpu.memory_space<vmem>>) semaphore(%run_scoped3A_108 : memref<!tpu.dma_semaphore, #tpu.memory_space<semaphore_mem>>) {add = true}
        %dma_wait3A_115 = arith.constant 64 : i32
        %dma_wait3A_116 = tpu.memref_slice %arg9[%scan3A_81, %dma_wait3A_115] : memref<80x128xi32, #tpu.memory_space<vmem>> -> memref<1x64xi32, #tpu.memory_space<vmem>>
        %dma_wait3A_117 = tpu.memref_squeeze %dma_wait3A_116 : memref<1x64xi32, #tpu.memory_space<vmem>> -> memref<64xi32, #tpu.memory_space<vmem>>
        %dma_wait3A_118 = arith.constant 0 : i32
        %dma_wait3A_119 = arith.constant 0 : i32
        %dma_wait3A_120 = tpu.memref_slice %arg14[%dma_wait3A_118, %dma_wait3A_119] : memref<10240x128xf32, #tpu.memory_space<vmem_shared>> -> memref<10240x128xf32, #tpu.memory_space<vmem_shared>>
        tpu.wait_indirect_dma semaphore(%run_scoped3A_108 : memref<!tpu.dma_semaphore, #tpu.memory_space<semaphore_mem>>) src(%arg11 : memref<64x128xf32, #tpu.memory_space<vmem>>) dst(%dma_wait3A_120 : memref<10240x128xf32, #tpu.memory_space<vmem_shared>>)
        tpu.yield
      }) : () -> ()
    }
    %scan3A_51 = arith.constant 79 : i32
    %dma_wait3A = arith.constant 79 : i32
    %dma_wait3A_52 = arith.constant 0 : i32
    %dma_wait3A_53 = tpu.memref_slice %arg8[%dma_wait3A, %dma_wait3A_52] : memref<80x128xi32, #tpu.memory_space<vmem>> -> memref<1x64xi32, #tpu.memory_space<vmem>>
    %dma_wait3A_54 = tpu.memref_squeeze %dma_wait3A_53 : memref<1x64xi32, #tpu.memory_space<vmem>> -> memref<64xi32, #tpu.memory_space<vmem>>
    %dma_wait3A_55 = arith.constant 0 : i32
    %dma_wait3A_56 = arith.constant 0 : i32
    %dma_wait3A_57 = tpu.memref_slice %arg2[%dma_wait3A_55, %dma_wait3A_56] : memref<10000x128xf32, #tpu.memory_space<hbm>> -> memref<10000x128xf32, #tpu.memory_space<hbm>>
    tpu.wait_indirect_dma semaphore(%arg12 : memref<!tpu.dma_semaphore, #tpu.memory_space<semaphore_mem>>) src(%dma_wait3A_57 : memref<10000x128xf32, #tpu.memory_space<hbm>>) dst(%arg10 : memref<64x128xf32, #tpu.memory_space<vmem>>)
    %dma_start3A_58 = arith.constant 79 : i32
    %dma_start3A_59 = arith.constant 64 : i32
    %dma_start3A_60 = tpu.memref_slice %arg8[%dma_start3A_58, %dma_start3A_59] : memref<80x128xi32, #tpu.memory_space<vmem>> -> memref<1x64xi32, #tpu.memory_space<vmem>>
    %dma_start3A_61 = tpu.memref_squeeze %dma_start3A_60 : memref<1x64xi32, #tpu.memory_space<vmem>> -> memref<64xi32, #tpu.memory_space<vmem>>
    %dma_start3A_62 = arith.constant 0 : i32
    %dma_start3A_63 = arith.constant 0 : i32
    %dma_start3A_64 = tpu.memref_slice %arg2[%dma_start3A_62, %dma_start3A_63] : memref<10000x128xf32, #tpu.memory_space<hbm>> -> memref<10000x128xf32, #tpu.memory_space<hbm>>
    tpu.enqueue_indirect_dma source(%dma_start3A_64 : memref<10000x128xf32, #tpu.memory_space<hbm>>) target(%arg11 : memref<64x128xf32, #tpu.memory_space<vmem>>) offsets(%dma_start3A_61 : memref<64xi32, #tpu.memory_space<vmem>>) semaphore(%arg13 : memref<!tpu.dma_semaphore, #tpu.memory_space<semaphore_mem>>)
    %run_scoped3A = arith.constant 79 : i32
    "tpu.region"() ({
      %run_scoped3A_81 = tpu.sem_alloc : memref<!tpu.dma_semaphore, #tpu.memory_space<semaphore_mem>>
      %dma_start3A_82 = arith.constant 0 : i32
      %dma_start3A_83 = tpu.memref_slice %arg9[%run_scoped3A, %dma_start3A_82] : memref<80x128xi32, #tpu.memory_space<vmem>> -> memref<1x64xi32, #tpu.memory_space<vmem>>
      %dma_start3A_84 = tpu.memref_squeeze %dma_start3A_83 : memref<1x64xi32, #tpu.memory_space<vmem>> -> memref<64xi32, #tpu.memory_space<vmem>>
      %dma_start3A_85 = arith.constant 0 : i32
      %dma_start3A_86 = arith.constant 0 : i32
      %dma_start3A_87 = tpu.memref_slice %arg14[%dma_start3A_85, %dma_start3A_86] : memref<10240x128xf32, #tpu.memory_space<vmem_shared>> -> memref<10240x128xf32, #tpu.memory_space<vmem_shared>>
      tpu.enqueue_indirect_dma source(%arg10 : memref<64x128xf32, #tpu.memory_space<vmem>>) target(%dma_start3A_87 : memref<10240x128xf32, #tpu.memory_space<vmem_shared>>) offsets(%dma_start3A_84 : memref<64xi32, #tpu.memory_space<vmem>>) semaphore(%run_scoped3A_81 : memref<!tpu.dma_semaphore, #tpu.memory_space<semaphore_mem>>) {add = true}
      %dma_wait3A_88 = arith.constant 0 : i32
      %dma_wait3A_89 = tpu.memref_slice %arg9[%run_scoped3A, %dma_wait3A_88] : memref<80x128xi32, #tpu.memory_space<vmem>> -> memref<1x64xi32, #tpu.memory_space<vmem>>
      %dma_wait3A_90 = tpu.memref_squeeze %dma_wait3A_89 : memref<1x64xi32, #tpu.memory_space<vmem>> -> memref<64xi32, #tpu.memory_space<vmem>>
      %dma_wait3A_91 = arith.constant 0 : i32
      %dma_wait3A_92 = arith.constant 0 : i32
      %dma_wait3A_93 = tpu.memref_slice %arg14[%dma_wait3A_91, %dma_wait3A_92] : memref<10240x128xf32, #tpu.memory_space<vmem_shared>> -> memref<10240x128xf32, #tpu.memory_space<vmem_shared>>
      tpu.wait_indirect_dma semaphore(%run_scoped3A_81 : memref<!tpu.dma_semaphore, #tpu.memory_space<semaphore_mem>>) src(%arg10 : memref<64x128xf32, #tpu.memory_space<vmem>>) dst(%dma_wait3A_93 : memref<10240x128xf32, #tpu.memory_space<vmem_shared>>)
      tpu.yield
    }) : () -> ()
    %dma_wait3A_65 = arith.constant 79 : i32
    %dma_wait3A_66 = arith.constant 64 : i32
    %dma_wait3A_67 = tpu.memref_slice %arg8[%dma_wait3A_65, %dma_wait3A_66] : memref<80x128xi32, #tpu.memory_space<vmem>> -> memref<1x64xi32, #tpu.memory_space<vmem>>
    %dma_wait3A_68 = tpu.memref_squeeze %dma_wait3A_67 : memref<1x64xi32, #tpu.memory_space<vmem>> -> memref<64xi32, #tpu.memory_space<vmem>>
    %dma_wait3A_69 = arith.constant 0 : i32
    %dma_wait3A_70 = arith.constant 0 : i32
    %dma_wait3A_71 = tpu.memref_slice %arg2[%dma_wait3A_69, %dma_wait3A_70] : memref<10000x128xf32, #tpu.memory_space<hbm>> -> memref<10000x128xf32, #tpu.memory_space<hbm>>
    tpu.wait_indirect_dma semaphore(%arg13 : memref<!tpu.dma_semaphore, #tpu.memory_space<semaphore_mem>>) src(%dma_wait3A_71 : memref<10000x128xf32, #tpu.memory_space<hbm>>) dst(%arg11 : memref<64x128xf32, #tpu.memory_space<vmem>>)
    %run_scoped3A_72 = arith.constant 79 : i32
    "tpu.region"() ({
      %run_scoped3A_81 = tpu.sem_alloc : memref<!tpu.dma_semaphore, #tpu.memory_space<semaphore_mem>>
      %dma_start3A_82 = arith.constant 64 : i32
      %dma_start3A_83 = tpu.memref_slice %arg9[%run_scoped3A_72, %dma_start3A_82] : memref<80x128xi32, #tpu.memory_space<vmem>> -> memref<1x64xi32, #tpu.memory_space<vmem>>
      %dma_start3A_84 = tpu.memref_squeeze %dma_start3A_83 : memref<1x64xi32, #tpu.memory_space<vmem>> -> memref<64xi32, #tpu.memory_space<vmem>>
      %dma_start3A_85 = arith.constant 0 : i32
      %dma_start3A_86 = arith.constant 0 : i32
      %dma_start3A_87 = tpu.memref_slice %arg14[%dma_start3A_85, %dma_start3A_86] : memref<10240x128xf32, #tpu.memory_space<vmem_shared>> -> memref<10240x128xf32, #tpu.memory_space<vmem_shared>>
      tpu.enqueue_indirect_dma source(%arg11 : memref<64x128xf32, #tpu.memory_space<vmem>>) target(%dma_start3A_87 : memref<10240x128xf32, #tpu.memory_space<vmem_shared>>) offsets(%dma_start3A_84 : memref<64xi32, #tpu.memory_space<vmem>>) semaphore(%run_scoped3A_81 : memref<!tpu.dma_semaphore, #tpu.memory_space<semaphore_mem>>) {add = true}
      %dma_wait3A_88 = arith.constant 64 : i32
      %dma_wait3A_89 = tpu.memref_slice %arg9[%run_scoped3A_72, %dma_wait3A_88] : memref<80x128xi32, #tpu.memory_space<vmem>> -> memref<1x64xi32, #tpu.memory_space<vmem>>
      %dma_wait3A_90 = tpu.memref_squeeze %dma_wait3A_89 : memref<1x64xi32, #tpu.memory_space<vmem>> -> memref<64xi32, #tpu.memory_space<vmem>>
      %dma_wait3A_91 = arith.constant 0 : i32
      %dma_wait3A_92 = arith.constant 0 : i32
      %dma_wait3A_93 = tpu.memref_slice %arg14[%dma_wait3A_91, %dma_wait3A_92] : memref<10240x128xf32, #tpu.memory_space<vmem_shared>> -> memref<10240x128xf32, #tpu.memory_space<vmem_shared>>
      tpu.wait_indirect_dma semaphore(%run_scoped3A_81 : memref<!tpu.dma_semaphore, #tpu.memory_space<semaphore_mem>>) src(%arg11 : memref<64x128xf32, #tpu.memory_space<vmem>>) dst(%dma_wait3A_93 : memref<10240x128xf32, #tpu.memory_space<vmem_shared>>)
      tpu.yield
    }) : () -> ()
    %barrier3A_73 = arith.constant 0 : index
    tpu.barrier barrier_id(%barrier3A_73)
    %eq3A = arith.constant 0 : i32
    %eq3A_74 = arith.cmpi eq, %arg0, %eq3A : i32
    %convert_element_type3A = arith.extui %eq3A_74 : i1 to i32
    %cond3A = arith.constant 0 : i32
    %cond3A_75 = arith.cmpi ne, %convert_element_type3A, %cond3A : i32
    scf.if %cond3A_75 {
      %mul3A_81 = arith.constant 640 : i32
      %mul3A_82 = arith.muli %arg1, %mul3A_81 : i32
      %mul3A_83 = arith.constant 640 : i32
      %mul3A_84 = arith.muli %arg1, %mul3A_83 : i32
      "tpu.region"() ({
        %run_scoped3A_85 = tpu.sem_alloc : memref<!tpu.dma_semaphore, #tpu.memory_space<semaphore_mem>>
        %dma_start3A_86 = arith.constant 0 : i32
        %dma_start3A_87 = tpu.memref_slice %arg6[%mul3A_84, %dma_start3A_86] : memref<10240x128xf32, #tpu.memory_space<hbm>> -> memref<640x128xf32, #tpu.memory_space<hbm>>
        %dma_start3A_88 = arith.constant 0 : i32
        %dma_start3A_89 = tpu.memref_slice %arg14[%mul3A_82, %dma_start3A_88] : memref<10240x128xf32, #tpu.memory_space<vmem_shared>> -> memref<640x128xf32, #tpu.memory_space<vmem_shared>>
        tpu.enqueue_dma source(%dma_start3A_89 : memref<640x128xf32, #tpu.memory_space<vmem_shared>>) target(%dma_start3A_87 : memref<640x128xf32, #tpu.memory_space<hbm>>) target_semaphore(%run_scoped3A_85 : memref<!tpu.dma_semaphore, #tpu.memory_space<semaphore_mem>>)
        %dma_wait3A_90 = arith.constant 0 : i32
        %dma_wait3A_91 = tpu.memref_slice %arg6[%mul3A_84, %dma_wait3A_90] : memref<10240x128xf32, #tpu.memory_space<hbm>> -> memref<640x128xf32, #tpu.memory_space<hbm>>
        %dma_wait3A_92 = arith.constant 0 : i32
        %dma_wait3A_93 = tpu.memref_slice %arg14[%mul3A_82, %dma_wait3A_92] : memref<10240x128xf32, #tpu.memory_space<vmem_shared>> -> memref<640x128xf32, #tpu.memory_space<vmem_shared>>
        tpu.wait_dma2 semaphore(%run_scoped3A_85 : memref<!tpu.dma_semaphore, #tpu.memory_space<semaphore_mem>>) src(%dma_wait3A_93 : memref<640x128xf32, #tpu.memory_space<vmem_shared>>) dst(%dma_wait3A_91 : memref<640x128xf32, #tpu.memory_space<hbm>>)
        tpu.yield
      }) : () -> ()
    } else {
    }
    %eq3A_76 = arith.constant 1 : i32
    %eq3A_77 = arith.cmpi eq, %arg0, %eq3A_76 : i32
    %convert_element_type3A_78 = arith.extui %eq3A_77 : i1 to i32
    %cond3A_79 = arith.constant 0 : i32
    %cond3A_80 = arith.cmpi ne, %convert_element_type3A_78, %cond3A_79 : i32
    scf.if %cond3A_80 {
      %mul3A_81 = arith.constant 640 : i32
      %mul3A_82 = arith.muli %arg1, %mul3A_81 : i32
      %mul3A_83 = arith.constant 640 : i32
      %mul3A_84 = arith.muli %arg1, %mul3A_83 : i32
      "tpu.region"() ({
        %run_scoped3A_85 = tpu.sem_alloc : memref<!tpu.dma_semaphore, #tpu.memory_space<semaphore_mem>>
        %dma_start3A_86 = arith.constant 0 : i32
        %dma_start3A_87 = tpu.memref_slice %arg7[%mul3A_84, %dma_start3A_86] : memref<10240x128xf32, #tpu.memory_space<hbm>> -> memref<640x128xf32, #tpu.memory_space<hbm>>
        %dma_start3A_88 = arith.constant 0 : i32
        %dma_start3A_89 = tpu.memref_slice %arg14[%mul3A_82, %dma_start3A_88] : memref<10240x128xf32, #tpu.memory_space<vmem_shared>> -> memref<640x128xf32, #tpu.memory_space<vmem_shared>>
        tpu.enqueue_dma source(%dma_start3A_89 : memref<640x128xf32, #tpu.memory_space<vmem_shared>>) target(%dma_start3A_87 : memref<640x128xf32, #tpu.memory_space<hbm>>) target_semaphore(%run_scoped3A_85 : memref<!tpu.dma_semaphore, #tpu.memory_space<semaphore_mem>>)
        %dma_wait3A_90 = arith.constant 0 : i32
        %dma_wait3A_91 = tpu.memref_slice %arg7[%mul3A_84, %dma_wait3A_90] : memref<10240x128xf32, #tpu.memory_space<hbm>> -> memref<640x128xf32, #tpu.memory_space<hbm>>
        %dma_wait3A_92 = arith.constant 0 : i32
        %dma_wait3A_93 = tpu.memref_slice %arg14[%mul3A_82, %dma_wait3A_92] : memref<10240x128xf32, #tpu.memory_space<vmem_shared>> -> memref<640x128xf32, #tpu.memory_space<vmem_shared>>
        tpu.wait_dma2 semaphore(%run_scoped3A_85 : memref<!tpu.dma_semaphore, #tpu.memory_space<semaphore_mem>>) src(%dma_wait3A_93 : memref<640x128xf32, #tpu.memory_space<vmem_shared>>) dst(%dma_wait3A_91 : memref<640x128xf32, #tpu.memory_space<hbm>>)
        tpu.yield
      }) : () -> ()
    } else {
    }
    return
  }
}

#map = affine_map<(d0, d1) -> (0, 0)>
#map1 = affine_map<(d0, d1) -> (0, 0, 0)>
module attributes {stable_mosaic.version = 14 : i64} {
  func.func @agg(%arg0: i32, %arg1: i32, %arg2: memref<10000x128xf32, #tpu.memory_space<hbm>>, %arg3: memref<32x80x128xi32, #tpu.memory_space<hbm>>, %arg4: memref<32x80x128xi32, #tpu.memory_space<hbm>>, %arg5: memref<64x128xf32, #tpu.memory_space<hbm>>, %arg6: memref<10240x128xf32, #tpu.memory_space<hbm>>, %arg7: memref<10240x128xf32, #tpu.memory_space<hbm>>, %arg8: memref<80x128xi32, #tpu.memory_space<vmem>>, %arg9: memref<80x128xi32, #tpu.memory_space<vmem>>, %arg10: memref<64x128xf32, #tpu.memory_space<vmem>>, %arg11: memref<64x128xf32, #tpu.memory_space<vmem>>, %arg12: memref<!tpu.dma_semaphore, #tpu.memory_space<semaphore_mem>>, %arg13: memref<!tpu.dma_semaphore, #tpu.memory_space<semaphore_mem>>, %arg14: memref<10240x128xf32, #tpu.memory_space<vmem_shared>>) attributes {dimension_semantics = [#tpu.dimension_semantics<core_parallel>, #tpu.dimension_semantics<subcore_parallel>], iteration_bounds = array<i64: 2, 16>, scalar_prefetch = 0 : i64, scratch_operands = 7 : i64, tpu.core_type = #tpu.core_type<sc_vector_subcore>, window_params = [{transform_indices = #map}, {transform_indices = #map1}, {transform_indices = #map1}, {transform_indices = #map}, {transform_indices = #map}, {transform_indices = #map}]} {
    %mul3A = arith.constant 2 : i32
    %mul3A_0 = arith.muli %arg1, %mul3A : i32
    %add3A = arith.addi %mul3A_0, %arg0 : i32
    "tpu.region"() ({
      %run_scoped3A_81 = tpu.sem_alloc : memref<!tpu.dma_semaphore, #tpu.memory_space<semaphore_mem>>
      %dma_start3A_82 = arith.constant 0 : i32
      %dma_start3A_83 = arith.constant 0 : i32
      %dma_start3A_84 = tpu.memref_slice %arg3[%add3A, %dma_start3A_82, %dma_start3A_83] : memref<32x80x128xi32, #tpu.memory_space<hbm>> -> memref<1x80x128xi32, #tpu.memory_space<hbm>>
      %dma_start3A_85 = tpu.memref_squeeze %dma_start3A_84 : memref<1x80x128xi32, #tpu.memory_space<hbm>> -> memref<80x128xi32, #tpu.memory_space<hbm>>
      %dma_start3A_86 = arith.constant 0 : i32
      %dma_start3A_87 = arith.constant 0 : i32
      %dma_start3A_88 = tpu.memref_slice %arg3[%add3A, %dma_start3A_86, %dma_start3A_87] : memref<32x80x128xi32, #tpu.memory_space<hbm>> -> memref<1x80x128xi32, #tpu.memory_space<hbm>>
      %dma_start3A_89 = tpu.memref_squeeze %dma_start3A_88 : memref<1x80x128xi32, #tpu.memory_space<hbm>> -> memref<80x128xi32, #tpu.memory_space<hbm>>
      tpu.enqueue_dma source(%dma_start3A_89 : memref<80x128xi32, #tpu.memory_space<hbm>>) target(%arg8 : memref<80x128xi32, #tpu.memory_space<vmem>>) target_semaphore(%run_scoped3A_81 : memref<!tpu.dma_semaphore, #tpu.memory_space<semaphore_mem>>)
      %dma_wait3A_90 = arith.constant 0 : i32
      %dma_wait3A_91 = arith.constant 0 : i32
      %dma_wait3A_92 = tpu.memref_slice %arg3[%add3A, %dma_wait3A_90, %dma_wait3A_91] : memref<32x80x128xi32, #tpu.memory_space<hbm>> -> memref<1x80x128xi32, #tpu.memory_space<hbm>>
      %dma_wait3A_93 = tpu.memref_squeeze %dma_wait3A_92 : memref<1x80x128xi32, #tpu.memory_space<hbm>> -> memref<80x128xi32, #tpu.memory_space<hbm>>
      %dma_wait3A_94 = arith.constant 0 : i32
      %dma_wait3A_95 = arith.constant 0 : i32
      %dma_wait3A_96 = tpu.memref_slice %arg3[%add3A, %dma_wait3A_94, %dma_wait3A_95] : memref<32x80x128xi32, #tpu.memory_space<hbm>> -> memref<1x80x128xi32, #tpu.memory_space<hbm>>
      %dma_wait3A_97 = tpu.memref_squeeze %dma_wait3A_96 : memref<1x80x128xi32, #tpu.memory_space<hbm>> -> memref<80x128xi32, #tpu.memory_space<hbm>>
      tpu.wait_dma2 semaphore(%run_scoped3A_81 : memref<!tpu.dma_semaphore, #tpu.memory_space<semaphore_mem>>) src(%dma_wait3A_97 : memref<80x128xi32, #tpu.memory_space<hbm>>) dst(%arg8 : memref<80x128xi32, #tpu.memory_space<vmem>>)
      tpu.yield
    }) : () -> ()
    "tpu.region"() ({
      %run_scoped3A_81 = tpu.sem_alloc : memref<!tpu.dma_semaphore, #tpu.memory_space<semaphore_mem>>
      %dma_start3A_82 = arith.constant 0 : i32
      %dma_start3A_83 = arith.constant 0 : i32
      %dma_start3A_84 = tpu.memref_slice %arg4[%add3A, %dma_start3A_82, %dma_start3A_83] : memref<32x80x128xi32, #tpu.memory_space<hbm>> -> memref<1x80x128xi32, #tpu.memory_space<hbm>>
      %dma_start3A_85 = tpu.memref_squeeze %dma_start3A_84 : memref<1x80x128xi32, #tpu.memory_space<hbm>> -> memref<80x128xi32, #tpu.memory_space<hbm>>
      %dma_start3A_86 = arith.constant 0 : i32
      %dma_start3A_87 = arith.constant 0 : i32
      %dma_start3A_88 = tpu.memref_slice %arg4[%add3A, %dma_start3A_86, %dma_start3A_87] : memref<32x80x128xi32, #tpu.memory_space<hbm>> -> memref<1x80x128xi32, #tpu.memory_space<hbm>>
      %dma_start3A_89 = tpu.memref_squeeze %dma_start3A_88 : memref<1x80x128xi32, #tpu.memory_space<hbm>> -> memref<80x128xi32, #tpu.memory_space<hbm>>
      tpu.enqueue_dma source(%dma_start3A_89 : memref<80x128xi32, #tpu.memory_space<hbm>>) target(%arg9 : memref<80x128xi32, #tpu.memory_space<vmem>>) target_semaphore(%run_scoped3A_81 : memref<!tpu.dma_semaphore, #tpu.memory_space<semaphore_mem>>)
      %dma_wait3A_90 = arith.constant 0 : i32
      %dma_wait3A_91 = arith.constant 0 : i32
      %dma_wait3A_92 = tpu.memref_slice %arg4[%add3A, %dma_wait3A_90, %dma_wait3A_91] : memref<32x80x128xi32, #tpu.memory_space<hbm>> -> memref<1x80x128xi32, #tpu.memory_space<hbm>>
      %dma_wait3A_93 = tpu.memref_squeeze %dma_wait3A_92 : memref<1x80x128xi32, #tpu.memory_space<hbm>> -> memref<80x128xi32, #tpu.memory_space<hbm>>
      %dma_wait3A_94 = arith.constant 0 : i32
      %dma_wait3A_95 = arith.constant 0 : i32
      %dma_wait3A_96 = tpu.memref_slice %arg4[%add3A, %dma_wait3A_94, %dma_wait3A_95] : memref<32x80x128xi32, #tpu.memory_space<hbm>> -> memref<1x80x128xi32, #tpu.memory_space<hbm>>
      %dma_wait3A_97 = tpu.memref_squeeze %dma_wait3A_96 : memref<1x80x128xi32, #tpu.memory_space<hbm>> -> memref<80x128xi32, #tpu.memory_space<hbm>>
      tpu.wait_dma2 semaphore(%run_scoped3A_81 : memref<!tpu.dma_semaphore, #tpu.memory_space<semaphore_mem>>) src(%dma_wait3A_97 : memref<80x128xi32, #tpu.memory_space<hbm>>) dst(%arg9 : memref<80x128xi32, #tpu.memory_space<vmem>>)
      tpu.yield
    }) : () -> ()
    "tpu.region"() ({
      %run_scoped3A_81 = tpu.sem_alloc : memref<!tpu.dma_semaphore, #tpu.memory_space<semaphore_mem>>
      tpu.enqueue_dma source(%arg5 : memref<64x128xf32, #tpu.memory_space<hbm>>) target(%arg10 : memref<64x128xf32, #tpu.memory_space<vmem>>) target_semaphore(%run_scoped3A_81 : memref<!tpu.dma_semaphore, #tpu.memory_space<semaphore_mem>>)
      tpu.wait_dma2 semaphore(%run_scoped3A_81 : memref<!tpu.dma_semaphore, #tpu.memory_space<semaphore_mem>>) src(%arg5 : memref<64x128xf32, #tpu.memory_space<hbm>>) dst(%arg10 : memref<64x128xf32, #tpu.memory_space<vmem>>)
      tpu.yield
    }) : () -> ()
    %mul3A_1 = arith.constant 640 : i32
    %mul3A_2 = arith.muli %arg1, %mul3A_1 : i32
    %add3A_3 = arith.constant 0 : i32
    %add3A_4 = arith.addi %mul3A_2, %add3A_3 : i32
    "tpu.region"() ({
      %run_scoped3A_81 = tpu.sem_alloc : memref<!tpu.dma_semaphore, #tpu.memory_space<semaphore_mem>>
      %dma_start3A_82 = arith.constant 0 : i32
      %dma_start3A_83 = tpu.memref_slice %arg14[%add3A_4, %dma_start3A_82] : memref<10240x128xf32, #tpu.memory_space<vmem_shared>> -> memref<64x128xf32, #tpu.memory_space<vmem_shared>>
      %dma_start3A_84 = arith.constant 0 : i32
      %dma_start3A_85 = tpu.memref_slice %arg14[%add3A_4, %dma_start3A_84] : memref<10240x128xf32, #tpu.memory_space<vmem_shared>> -> memref<64x128xf32, #tpu.memory_space<vmem_shared>>
      tpu.enqueue_dma source(%arg10 : memref<64x128xf32, #tpu.memory_space<vmem>>) target(%dma_start3A_85 : memref<64x128xf32, #tpu.memory_space<vmem_shared>>) target_semaphore(%run_scoped3A_81 : memref<!tpu.dma_semaphore, #tpu.memory_space<semaphore_mem>>)
      %dma_wait3A_86 = arith.constant 0 : i32
      %dma_wait3A_87 = tpu.memref_slice %arg14[%add3A_4, %dma_wait3A_86] : memref<10240x128xf32, #tpu.memory_space<vmem_shared>> -> memref<64x128xf32, #tpu.memory_space<vmem_shared>>
      %dma_wait3A_88 = arith.constant 0 : i32
      %dma_wait3A_89 = tpu.memref_slice %arg14[%add3A_4, %dma_wait3A_88] : memref<10240x128xf32, #tpu.memory_space<vmem_shared>> -> memref<64x128xf32, #tpu.memory_space<vmem_shared>>
      tpu.wait_dma2 semaphore(%run_scoped3A_81 : memref<!tpu.dma_semaphore, #tpu.memory_space<semaphore_mem>>) src(%arg10 : memref<64x128xf32, #tpu.memory_space<vmem>>) dst(%dma_wait3A_89 : memref<64x128xf32, #tpu.memory_space<vmem_shared>>)
      tpu.yield
    }) : () -> ()
    %mul3A_5 = arith.constant 640 : i32
    %mul3A_6 = arith.muli %arg1, %mul3A_5 : i32
    %add3A_7 = arith.constant 64 : i32
    %add3A_8 = arith.addi %mul3A_6, %add3A_7 : i32
    "tpu.region"() ({
      %run_scoped3A_81 = tpu.sem_alloc : memref<!tpu.dma_semaphore, #tpu.memory_space<semaphore_mem>>
      %dma_start3A_82 = arith.constant 0 : i32
      %dma_start3A_83 = tpu.memref_slice %arg14[%add3A_8, %dma_start3A_82] : memref<10240x128xf32, #tpu.memory_space<vmem_shared>> -> memref<64x128xf32, #tpu.memory_space<vmem_shared>>
      %dma_start3A_84 = arith.constant 0 : i32
      %dma_start3A_85 = tpu.memref_slice %arg14[%add3A_8, %dma_start3A_84] : memref<10240x128xf32, #tpu.memory_space<vmem_shared>> -> memref<64x128xf32, #tpu.memory_space<vmem_shared>>
      tpu.enqueue_dma source(%arg10 : memref<64x128xf32, #tpu.memory_space<vmem>>) target(%dma_start3A_85 : memref<64x128xf32, #tpu.memory_space<vmem_shared>>) target_semaphore(%run_scoped3A_81 : memref<!tpu.dma_semaphore, #tpu.memory_space<semaphore_mem>>)
      %dma_wait3A_86 = arith.constant 0 : i32
      %dma_wait3A_87 = tpu.memref_slice %arg14[%add3A_8, %dma_wait3A_86] : memref<10240x128xf32, #tpu.memory_space<vmem_shared>> -> memref<64x128xf32, #tpu.memory_space<vmem_shared>>
      %dma_wait3A_88 = arith.constant 0 : i32
      %dma_wait3A_89 = tpu.memref_slice %arg14[%add3A_8, %dma_wait3A_88] : memref<10240x128xf32, #tpu.memory_space<vmem_shared>> -> memref<64x128xf32, #tpu.memory_space<vmem_shared>>
      tpu.wait_dma2 semaphore(%run_scoped3A_81 : memref<!tpu.dma_semaphore, #tpu.memory_space<semaphore_mem>>) src(%arg10 : memref<64x128xf32, #tpu.memory_space<vmem>>) dst(%dma_wait3A_89 : memref<64x128xf32, #tpu.memory_space<vmem_shared>>)
      tpu.yield
    }) : () -> ()
    %mul3A_9 = arith.constant 640 : i32
    %mul3A_10 = arith.muli %arg1, %mul3A_9 : i32
    %add3A_11 = arith.constant 128 : i32
    %add3A_12 = arith.addi %mul3A_10, %add3A_11 : i32
    "tpu.region"() ({
      %run_scoped3A_81 = tpu.sem_alloc : memref<!tpu.dma_semaphore, #tpu.memory_space<semaphore_mem>>
      %dma_start3A_82 = arith.constant 0 : i32
      %dma_start3A_83 = tpu.memref_slice %arg14[%add3A_12, %dma_start3A_82] : memref<10240x128xf32, #tpu.memory_space<vmem_shared>> -> memref<64x128xf32, #tpu.memory_space<vmem_shared>>
      %dma_start3A_84 = arith.constant 0 : i32
      %dma_start3A_85 = tpu.memref_slice %arg14[%add3A_12, %dma_start3A_84] : memref<10240x128xf32, #tpu.memory_space<vmem_shared>> -> memref<64x128xf32, #tpu.memory_space<vmem_shared>>
      tpu.enqueue_dma source(%arg10 : memref<64x128xf32, #tpu.memory_space<vmem>>) target(%dma_start3A_85 : memref<64x128xf32, #tpu.memory_space<vmem_shared>>) target_semaphore(%run_scoped3A_81 : memref<!tpu.dma_semaphore, #tpu.memory_space<semaphore_mem>>)
      %dma_wait3A_86 = arith.constant 0 : i32
      %dma_wait3A_87 = tpu.memref_slice %arg14[%add3A_12, %dma_wait3A_86] : memref<10240x128xf32, #tpu.memory_space<vmem_shared>> -> memref<64x128xf32, #tpu.memory_space<vmem_shared>>
      %dma_wait3A_88 = arith.constant 0 : i32
      %dma_wait3A_89 = tpu.memref_slice %arg14[%add3A_12, %dma_wait3A_88] : memref<10240x128xf32, #tpu.memory_space<vmem_shared>> -> memref<64x128xf32, #tpu.memory_space<vmem_shared>>
      tpu.wait_dma2 semaphore(%run_scoped3A_81 : memref<!tpu.dma_semaphore, #tpu.memory_space<semaphore_mem>>) src(%arg10 : memref<64x128xf32, #tpu.memory_space<vmem>>) dst(%dma_wait3A_89 : memref<64x128xf32, #tpu.memory_space<vmem_shared>>)
      tpu.yield
    }) : () -> ()
    %mul3A_13 = arith.constant 640 : i32
    %mul3A_14 = arith.muli %arg1, %mul3A_13 : i32
    %add3A_15 = arith.constant 192 : i32
    %add3A_16 = arith.addi %mul3A_14, %add3A_15 : i32
    "tpu.region"() ({
      %run_scoped3A_81 = tpu.sem_alloc : memref<!tpu.dma_semaphore, #tpu.memory_space<semaphore_mem>>
      %dma_start3A_82 = arith.constant 0 : i32
      %dma_start3A_83 = tpu.memref_slice %arg14[%add3A_16, %dma_start3A_82] : memref<10240x128xf32, #tpu.memory_space<vmem_shared>> -> memref<64x128xf32, #tpu.memory_space<vmem_shared>>
      %dma_start3A_84 = arith.constant 0 : i32
      %dma_start3A_85 = tpu.memref_slice %arg14[%add3A_16, %dma_start3A_84] : memref<10240x128xf32, #tpu.memory_space<vmem_shared>> -> memref<64x128xf32, #tpu.memory_space<vmem_shared>>
      tpu.enqueue_dma source(%arg10 : memref<64x128xf32, #tpu.memory_space<vmem>>) target(%dma_start3A_85 : memref<64x128xf32, #tpu.memory_space<vmem_shared>>) target_semaphore(%run_scoped3A_81 : memref<!tpu.dma_semaphore, #tpu.memory_space<semaphore_mem>>)
      %dma_wait3A_86 = arith.constant 0 : i32
      %dma_wait3A_87 = tpu.memref_slice %arg14[%add3A_16, %dma_wait3A_86] : memref<10240x128xf32, #tpu.memory_space<vmem_shared>> -> memref<64x128xf32, #tpu.memory_space<vmem_shared>>
      %dma_wait3A_88 = arith.constant 0 : i32
      %dma_wait3A_89 = tpu.memref_slice %arg14[%add3A_16, %dma_wait3A_88] : memref<10240x128xf32, #tpu.memory_space<vmem_shared>> -> memref<64x128xf32, #tpu.memory_space<vmem_shared>>
      tpu.wait_dma2 semaphore(%run_scoped3A_81 : memref<!tpu.dma_semaphore, #tpu.memory_space<semaphore_mem>>) src(%arg10 : memref<64x128xf32, #tpu.memory_space<vmem>>) dst(%dma_wait3A_89 : memref<64x128xf32, #tpu.memory_space<vmem_shared>>)
      tpu.yield
    }) : () -> ()
    %mul3A_17 = arith.constant 640 : i32
    %mul3A_18 = arith.muli %arg1, %mul3A_17 : i32
    %add3A_19 = arith.constant 256 : i32
    %add3A_20 = arith.addi %mul3A_18, %add3A_19 : i32
    "tpu.region"() ({
      %run_scoped3A_81 = tpu.sem_alloc : memref<!tpu.dma_semaphore, #tpu.memory_space<semaphore_mem>>
      %dma_start3A_82 = arith.constant 0 : i32
      %dma_start3A_83 = tpu.memref_slice %arg14[%add3A_20, %dma_start3A_82] : memref<10240x128xf32, #tpu.memory_space<vmem_shared>> -> memref<64x128xf32, #tpu.memory_space<vmem_shared>>
      %dma_start3A_84 = arith.constant 0 : i32
      %dma_start3A_85 = tpu.memref_slice %arg14[%add3A_20, %dma_start3A_84] : memref<10240x128xf32, #tpu.memory_space<vmem_shared>> -> memref<64x128xf32, #tpu.memory_space<vmem_shared>>
      tpu.enqueue_dma source(%arg10 : memref<64x128xf32, #tpu.memory_space<vmem>>) target(%dma_start3A_85 : memref<64x128xf32, #tpu.memory_space<vmem_shared>>) target_semaphore(%run_scoped3A_81 : memref<!tpu.dma_semaphore, #tpu.memory_space<semaphore_mem>>)
      %dma_wait3A_86 = arith.constant 0 : i32
      %dma_wait3A_87 = tpu.memref_slice %arg14[%add3A_20, %dma_wait3A_86] : memref<10240x128xf32, #tpu.memory_space<vmem_shared>> -> memref<64x128xf32, #tpu.memory_space<vmem_shared>>
      %dma_wait3A_88 = arith.constant 0 : i32
      %dma_wait3A_89 = tpu.memref_slice %arg14[%add3A_20, %dma_wait3A_88] : memref<10240x128xf32, #tpu.memory_space<vmem_shared>> -> memref<64x128xf32, #tpu.memory_space<vmem_shared>>
      tpu.wait_dma2 semaphore(%run_scoped3A_81 : memref<!tpu.dma_semaphore, #tpu.memory_space<semaphore_mem>>) src(%arg10 : memref<64x128xf32, #tpu.memory_space<vmem>>) dst(%dma_wait3A_89 : memref<64x128xf32, #tpu.memory_space<vmem_shared>>)
      tpu.yield
    }) : () -> ()
    %mul3A_21 = arith.constant 640 : i32
    %mul3A_22 = arith.muli %arg1, %mul3A_21 : i32
    %add3A_23 = arith.constant 320 : i32
    %add3A_24 = arith.addi %mul3A_22, %add3A_23 : i32
    "tpu.region"() ({
      %run_scoped3A_81 = tpu.sem_alloc : memref<!tpu.dma_semaphore, #tpu.memory_space<semaphore_mem>>
      %dma_start3A_82 = arith.constant 0 : i32
      %dma_start3A_83 = tpu.memref_slice %arg14[%add3A_24, %dma_start3A_82] : memref<10240x128xf32, #tpu.memory_space<vmem_shared>> -> memref<64x128xf32, #tpu.memory_space<vmem_shared>>
      %dma_start3A_84 = arith.constant 0 : i32
      %dma_start3A_85 = tpu.memref_slice %arg14[%add3A_24, %dma_start3A_84] : memref<10240x128xf32, #tpu.memory_space<vmem_shared>> -> memref<64x128xf32, #tpu.memory_space<vmem_shared>>
      tpu.enqueue_dma source(%arg10 : memref<64x128xf32, #tpu.memory_space<vmem>>) target(%dma_start3A_85 : memref<64x128xf32, #tpu.memory_space<vmem_shared>>) target_semaphore(%run_scoped3A_81 : memref<!tpu.dma_semaphore, #tpu.memory_space<semaphore_mem>>)
      %dma_wait3A_86 = arith.constant 0 : i32
      %dma_wait3A_87 = tpu.memref_slice %arg14[%add3A_24, %dma_wait3A_86] : memref<10240x128xf32, #tpu.memory_space<vmem_shared>> -> memref<64x128xf32, #tpu.memory_space<vmem_shared>>
      %dma_wait3A_88 = arith.constant 0 : i32
      %dma_wait3A_89 = tpu.memref_slice %arg14[%add3A_24, %dma_wait3A_88] : memref<10240x128xf32, #tpu.memory_space<vmem_shared>> -> memref<64x128xf32, #tpu.memory_space<vmem_shared>>
      tpu.wait_dma2 semaphore(%run_scoped3A_81 : memref<!tpu.dma_semaphore, #tpu.memory_space<semaphore_mem>>) src(%arg10 : memref<64x128xf32, #tpu.memory_space<vmem>>) dst(%dma_wait3A_89 : memref<64x128xf32, #tpu.memory_space<vmem_shared>>)
      tpu.yield
    }) : () -> ()
    %mul3A_25 = arith.constant 640 : i32
    %mul3A_26 = arith.muli %arg1, %mul3A_25 : i32
    %add3A_27 = arith.constant 384 : i32
    %add3A_28 = arith.addi %mul3A_26, %add3A_27 : i32
    "tpu.region"() ({
      %run_scoped3A_81 = tpu.sem_alloc : memref<!tpu.dma_semaphore, #tpu.memory_space<semaphore_mem>>
      %dma_start3A_82 = arith.constant 0 : i32
      %dma_start3A_83 = tpu.memref_slice %arg14[%add3A_28, %dma_start3A_82] : memref<10240x128xf32, #tpu.memory_space<vmem_shared>> -> memref<64x128xf32, #tpu.memory_space<vmem_shared>>
      %dma_start3A_84 = arith.constant 0 : i32
      %dma_start3A_85 = tpu.memref_slice %arg14[%add3A_28, %dma_start3A_84] : memref<10240x128xf32, #tpu.memory_space<vmem_shared>> -> memref<64x128xf32, #tpu.memory_space<vmem_shared>>
      tpu.enqueue_dma source(%arg10 : memref<64x128xf32, #tpu.memory_space<vmem>>) target(%dma_start3A_85 : memref<64x128xf32, #tpu.memory_space<vmem_shared>>) target_semaphore(%run_scoped3A_81 : memref<!tpu.dma_semaphore, #tpu.memory_space<semaphore_mem>>)
      %dma_wait3A_86 = arith.constant 0 : i32
      %dma_wait3A_87 = tpu.memref_slice %arg14[%add3A_28, %dma_wait3A_86] : memref<10240x128xf32, #tpu.memory_space<vmem_shared>> -> memref<64x128xf32, #tpu.memory_space<vmem_shared>>
      %dma_wait3A_88 = arith.constant 0 : i32
      %dma_wait3A_89 = tpu.memref_slice %arg14[%add3A_28, %dma_wait3A_88] : memref<10240x128xf32, #tpu.memory_space<vmem_shared>> -> memref<64x128xf32, #tpu.memory_space<vmem_shared>>
      tpu.wait_dma2 semaphore(%run_scoped3A_81 : memref<!tpu.dma_semaphore, #tpu.memory_space<semaphore_mem>>) src(%arg10 : memref<64x128xf32, #tpu.memory_space<vmem>>) dst(%dma_wait3A_89 : memref<64x128xf32, #tpu.memory_space<vmem_shared>>)
      tpu.yield
    }) : () -> ()
    %mul3A_29 = arith.constant 640 : i32
    %mul3A_30 = arith.muli %arg1, %mul3A_29 : i32
    %add3A_31 = arith.constant 448 : i32
    %add3A_32 = arith.addi %mul3A_30, %add3A_31 : i32
    "tpu.region"() ({
      %run_scoped3A_81 = tpu.sem_alloc : memref<!tpu.dma_semaphore, #tpu.memory_space<semaphore_mem>>
      %dma_start3A_82 = arith.constant 0 : i32
      %dma_start3A_83 = tpu.memref_slice %arg14[%add3A_32, %dma_start3A_82] : memref<10240x128xf32, #tpu.memory_space<vmem_shared>> -> memref<64x128xf32, #tpu.memory_space<vmem_shared>>
      %dma_start3A_84 = arith.constant 0 : i32
      %dma_start3A_85 = tpu.memref_slice %arg14[%add3A_32, %dma_start3A_84] : memref<10240x128xf32, #tpu.memory_space<vmem_shared>> -> memref<64x128xf32, #tpu.memory_space<vmem_shared>>
      tpu.enqueue_dma source(%arg10 : memref<64x128xf32, #tpu.memory_space<vmem>>) target(%dma_start3A_85 : memref<64x128xf32, #tpu.memory_space<vmem_shared>>) target_semaphore(%run_scoped3A_81 : memref<!tpu.dma_semaphore, #tpu.memory_space<semaphore_mem>>)
      %dma_wait3A_86 = arith.constant 0 : i32
      %dma_wait3A_87 = tpu.memref_slice %arg14[%add3A_32, %dma_wait3A_86] : memref<10240x128xf32, #tpu.memory_space<vmem_shared>> -> memref<64x128xf32, #tpu.memory_space<vmem_shared>>
      %dma_wait3A_88 = arith.constant 0 : i32
      %dma_wait3A_89 = tpu.memref_slice %arg14[%add3A_32, %dma_wait3A_88] : memref<10240x128xf32, #tpu.memory_space<vmem_shared>> -> memref<64x128xf32, #tpu.memory_space<vmem_shared>>
      tpu.wait_dma2 semaphore(%run_scoped3A_81 : memref<!tpu.dma_semaphore, #tpu.memory_space<semaphore_mem>>) src(%arg10 : memref<64x128xf32, #tpu.memory_space<vmem>>) dst(%dma_wait3A_89 : memref<64x128xf32, #tpu.memory_space<vmem_shared>>)
      tpu.yield
    }) : () -> ()
    %mul3A_33 = arith.constant 640 : i32
    %mul3A_34 = arith.muli %arg1, %mul3A_33 : i32
    %add3A_35 = arith.constant 512 : i32
    %add3A_36 = arith.addi %mul3A_34, %add3A_35 : i32
    "tpu.region"() ({
      %run_scoped3A_81 = tpu.sem_alloc : memref<!tpu.dma_semaphore, #tpu.memory_space<semaphore_mem>>
      %dma_start3A_82 = arith.constant 0 : i32
      %dma_start3A_83 = tpu.memref_slice %arg14[%add3A_36, %dma_start3A_82] : memref<10240x128xf32, #tpu.memory_space<vmem_shared>> -> memref<64x128xf32, #tpu.memory_space<vmem_shared>>
      %dma_start3A_84 = arith.constant 0 : i32
      %dma_start3A_85 = tpu.memref_slice %arg14[%add3A_36, %dma_start3A_84] : memref<10240x128xf32, #tpu.memory_space<vmem_shared>> -> memref<64x128xf32, #tpu.memory_space<vmem_shared>>
      tpu.enqueue_dma source(%arg10 : memref<64x128xf32, #tpu.memory_space<vmem>>) target(%dma_start3A_85 : memref<64x128xf32, #tpu.memory_space<vmem_shared>>) target_semaphore(%run_scoped3A_81 : memref<!tpu.dma_semaphore, #tpu.memory_space<semaphore_mem>>)
      %dma_wait3A_86 = arith.constant 0 : i32
      %dma_wait3A_87 = tpu.memref_slice %arg14[%add3A_36, %dma_wait3A_86] : memref<10240x128xf32, #tpu.memory_space<vmem_shared>> -> memref<64x128xf32, #tpu.memory_space<vmem_shared>>
      %dma_wait3A_88 = arith.constant 0 : i32
      %dma_wait3A_89 = tpu.memref_slice %arg14[%add3A_36, %dma_wait3A_88] : memref<10240x128xf32, #tpu.memory_space<vmem_shared>> -> memref<64x128xf32, #tpu.memory_space<vmem_shared>>
      tpu.wait_dma2 semaphore(%run_scoped3A_81 : memref<!tpu.dma_semaphore, #tpu.memory_space<semaphore_mem>>) src(%arg10 : memref<64x128xf32, #tpu.memory_space<vmem>>) dst(%dma_wait3A_89 : memref<64x128xf32, #tpu.memory_space<vmem_shared>>)
      tpu.yield
    }) : () -> ()
    %mul3A_37 = arith.constant 640 : i32
    %mul3A_38 = arith.muli %arg1, %mul3A_37 : i32
    %add3A_39 = arith.constant 576 : i32
    %add3A_40 = arith.addi %mul3A_38, %add3A_39 : i32
    "tpu.region"() ({
      %run_scoped3A_81 = tpu.sem_alloc : memref<!tpu.dma_semaphore, #tpu.memory_space<semaphore_mem>>
      %dma_start3A_82 = arith.constant 0 : i32
      %dma_start3A_83 = tpu.memref_slice %arg14[%add3A_40, %dma_start3A_82] : memref<10240x128xf32, #tpu.memory_space<vmem_shared>> -> memref<64x128xf32, #tpu.memory_space<vmem_shared>>
      %dma_start3A_84 = arith.constant 0 : i32
      %dma_start3A_85 = tpu.memref_slice %arg14[%add3A_40, %dma_start3A_84] : memref<10240x128xf32, #tpu.memory_space<vmem_shared>> -> memref<64x128xf32, #tpu.memory_space<vmem_shared>>
      tpu.enqueue_dma source(%arg10 : memref<64x128xf32, #tpu.memory_space<vmem>>) target(%dma_start3A_85 : memref<64x128xf32, #tpu.memory_space<vmem_shared>>) target_semaphore(%run_scoped3A_81 : memref<!tpu.dma_semaphore, #tpu.memory_space<semaphore_mem>>)
      %dma_wait3A_86 = arith.constant 0 : i32
      %dma_wait3A_87 = tpu.memref_slice %arg14[%add3A_40, %dma_wait3A_86] : memref<10240x128xf32, #tpu.memory_space<vmem_shared>> -> memref<64x128xf32, #tpu.memory_space<vmem_shared>>
      %dma_wait3A_88 = arith.constant 0 : i32
      %dma_wait3A_89 = tpu.memref_slice %arg14[%add3A_40, %dma_wait3A_88] : memref<10240x128xf32, #tpu.memory_space<vmem_shared>> -> memref<64x128xf32, #tpu.memory_space<vmem_shared>>
      tpu.wait_dma2 semaphore(%run_scoped3A_81 : memref<!tpu.dma_semaphore, #tpu.memory_space<semaphore_mem>>) src(%arg10 : memref<64x128xf32, #tpu.memory_space<vmem>>) dst(%dma_wait3A_89 : memref<64x128xf32, #tpu.memory_space<vmem_shared>>)
      tpu.yield
    }) : () -> ()
    %barrier3A = arith.constant 0 : index
    tpu.barrier barrier_id(%barrier3A)
    %dma_start3A = arith.constant 0 : i32
    %dma_start3A_41 = arith.constant 0 : i32
    %dma_start3A_42 = tpu.memref_slice %arg8[%dma_start3A, %dma_start3A_41] : memref<80x128xi32, #tpu.memory_space<vmem>> -> memref<1x64xi32, #tpu.memory_space<vmem>>
    %dma_start3A_43 = tpu.memref_squeeze %dma_start3A_42 : memref<1x64xi32, #tpu.memory_space<vmem>> -> memref<64xi32, #tpu.memory_space<vmem>>
    %dma_start3A_44 = arith.constant 0 : i32
    %dma_start3A_45 = arith.constant 0 : i32
    %dma_start3A_46 = tpu.memref_slice %arg2[%dma_start3A_44, %dma_start3A_45] : memref<10000x128xf32, #tpu.memory_space<hbm>> -> memref<10000x128xf32, #tpu.memory_space<hbm>>
    tpu.enqueue_indirect_dma source(%dma_start3A_46 : memref<10000x128xf32, #tpu.memory_space<hbm>>) target(%arg10 : memref<64x128xf32, #tpu.memory_space<vmem>>) offsets(%dma_start3A_43 : memref<64xi32, #tpu.memory_space<vmem>>) semaphore(%arg12 : memref<!tpu.dma_semaphore, #tpu.memory_space<semaphore_mem>>)
    %scan3A = arith.constant 0 : i32
    %scan3A_47 = arith.constant 0 : i32
    %scan3A_48 = arith.constant 79 : i32
    %scan3A_49 = arith.addi %scan3A_47, %scan3A_48 : i32
    %scan3A_50 = arith.constant 1 : i32
    scf.for %scan3A_81 = %scan3A_47 to %scan3A_49 step %scan3A_50  : i32 {
      %dma_wait3A_82 = arith.constant 0 : i32
      %dma_wait3A_83 = tpu.memref_slice %arg8[%scan3A_81, %dma_wait3A_82] : memref<80x128xi32, #tpu.memory_space<vmem>> -> memref<1x64xi32, #tpu.memory_space<vmem>>
      %dma_wait3A_84 = tpu.memref_squeeze %dma_wait3A_83 : memref<1x64xi32, #tpu.memory_space<vmem>> -> memref<64xi32, #tpu.memory_space<vmem>>
      %dma_wait3A_85 = arith.constant 0 : i32
      %dma_wait3A_86 = arith.constant 0 : i32
      %dma_wait3A_87 = tpu.memref_slice %arg2[%dma_wait3A_85, %dma_wait3A_86] : memref<10000x128xf32, #tpu.memory_space<hbm>> -> memref<10000x128xf32, #tpu.memory_space<hbm>>
      tpu.wait_indirect_dma semaphore(%arg12 : memref<!tpu.dma_semaphore, #tpu.memory_space<semaphore_mem>>) src(%dma_wait3A_87 : memref<10000x128xf32, #tpu.memory_space<hbm>>) dst(%arg10 : memref<64x128xf32, #tpu.memory_space<vmem>>)
      %dma_start3A_88 = arith.constant 64 : i32
      %dma_start3A_89 = tpu.memref_slice %arg8[%scan3A_81, %dma_start3A_88] : memref<80x128xi32, #tpu.memory_space<vmem>> -> memref<1x64xi32, #tpu.memory_space<vmem>>
      %dma_start3A_90 = tpu.memref_squeeze %dma_start3A_89 : memref<1x64xi32, #tpu.memory_space<vmem>> -> memref<64xi32, #tpu.memory_space<vmem>>
      %dma_start3A_91 = arith.constant 0 : i32
      %dma_start3A_92 = arith.constant 0 : i32
      %dma_start3A_93 = tpu.memref_slice %arg2[%dma_start3A_91, %dma_start3A_92] : memref<10000x128xf32, #tpu.memory_space<hbm>> -> memref<10000x128xf32, #tpu.memory_space<hbm>>
      tpu.enqueue_indirect_dma source(%dma_start3A_93 : memref<10000x128xf32, #tpu.memory_space<hbm>>) target(%arg11 : memref<64x128xf32, #tpu.memory_space<vmem>>) offsets(%dma_start3A_90 : memref<64xi32, #tpu.memory_space<vmem>>) semaphore(%arg13 : memref<!tpu.dma_semaphore, #tpu.memory_space<semaphore_mem>>)
      "tpu.region"() ({
        %run_scoped3A_108 = tpu.sem_alloc : memref<!tpu.dma_semaphore, #tpu.memory_space<semaphore_mem>>
        %dma_start3A_109 = arith.constant 0 : i32
        %dma_start3A_110 = tpu.memref_slice %arg9[%scan3A_81, %dma_start3A_109] : memref<80x128xi32, #tpu.memory_space<vmem>> -> memref<1x64xi32, #tpu.memory_space<vmem>>
        %dma_start3A_111 = tpu.memref_squeeze %dma_start3A_110 : memref<1x64xi32, #tpu.memory_space<vmem>> -> memref<64xi32, #tpu.memory_space<vmem>>
        %dma_start3A_112 = arith.constant 0 : i32
        %dma_start3A_113 = arith.constant 0 : i32
        %dma_start3A_114 = tpu.memref_slice %arg14[%dma_start3A_112, %dma_start3A_113] : memref<10240x128xf32, #tpu.memory_space<vmem_shared>> -> memref<10240x128xf32, #tpu.memory_space<vmem_shared>>
        tpu.enqueue_indirect_dma source(%arg10 : memref<64x128xf32, #tpu.memory_space<vmem>>) target(%dma_start3A_114 : memref<10240x128xf32, #tpu.memory_space<vmem_shared>>) offsets(%dma_start3A_111 : memref<64xi32, #tpu.memory_space<vmem>>) semaphore(%run_scoped3A_108 : memref<!tpu.dma_semaphore, #tpu.memory_space<semaphore_mem>>) {add = true}
        %dma_wait3A_115 = arith.constant 0 : i32
        %dma_wait3A_116 = tpu.memref_slice %arg9[%scan3A_81, %dma_wait3A_115] : memref<80x128xi32, #tpu.memory_space<vmem>> -> memref<1x64xi32, #tpu.memory_space<vmem>>
        %dma_wait3A_117 = tpu.memref_squeeze %dma_wait3A_116 : memref<1x64xi32, #tpu.memory_space<vmem>> -> memref<64xi32, #tpu.memory_space<vmem>>
        %dma_wait3A_118 = arith.constant 0 : i32
        %dma_wait3A_119 = arith.constant 0 : i32
        %dma_wait3A_120 = tpu.memref_slice %arg14[%dma_wait3A_118, %dma_wait3A_119] : memref<10240x128xf32, #tpu.memory_space<vmem_shared>> -> memref<10240x128xf32, #tpu.memory_space<vmem_shared>>
        tpu.wait_indirect_dma semaphore(%run_scoped3A_108 : memref<!tpu.dma_semaphore, #tpu.memory_space<semaphore_mem>>) src(%arg10 : memref<64x128xf32, #tpu.memory_space<vmem>>) dst(%dma_wait3A_120 : memref<10240x128xf32, #tpu.memory_space<vmem_shared>>)
        tpu.yield
      }) : () -> ()
      %dma_wait3A_94 = arith.constant 64 : i32
      %dma_wait3A_95 = tpu.memref_slice %arg8[%scan3A_81, %dma_wait3A_94] : memref<80x128xi32, #tpu.memory_space<vmem>> -> memref<1x64xi32, #tpu.memory_space<vmem>>
      %dma_wait3A_96 = tpu.memref_squeeze %dma_wait3A_95 : memref<1x64xi32, #tpu.memory_space<vmem>> -> memref<64xi32, #tpu.memory_space<vmem>>
      %dma_wait3A_97 = arith.constant 0 : i32
      %dma_wait3A_98 = arith.constant 0 : i32
      %dma_wait3A_99 = tpu.memref_slice %arg2[%dma_wait3A_97, %dma_wait3A_98] : memref<10000x128xf32, #tpu.memory_space<hbm>> -> memref<10000x128xf32, #tpu.memory_space<hbm>>
      tpu.wait_indirect_dma semaphore(%arg13 : memref<!tpu.dma_semaphore, #tpu.memory_space<semaphore_mem>>) src(%dma_wait3A_99 : memref<10000x128xf32, #tpu.memory_space<hbm>>) dst(%arg11 : memref<64x128xf32, #tpu.memory_space<vmem>>)
      %add3A_100 = arith.constant 1 : i32
      %add3A_101 = arith.addi %scan3A_81, %add3A_100 : i32
      %dma_start3A_102 = arith.constant 0 : i32
      %dma_start3A_103 = tpu.memref_slice %arg8[%add3A_101, %dma_start3A_102] : memref<80x128xi32, #tpu.memory_space<vmem>> -> memref<1x64xi32, #tpu.memory_space<vmem>>
      %dma_start3A_104 = tpu.memref_squeeze %dma_start3A_103 : memref<1x64xi32, #tpu.memory_space<vmem>> -> memref<64xi32, #tpu.memory_space<vmem>>
      %dma_start3A_105 = arith.constant 0 : i32
      %dma_start3A_106 = arith.constant 0 : i32
      %dma_start3A_107 = tpu.memref_slice %arg2[%dma_start3A_105, %dma_start3A_106] : memref<10000x128xf32, #tpu.memory_space<hbm>> -> memref<10000x128xf32, #tpu.memory_space<hbm>>
      tpu.enqueue_indirect_dma source(%dma_start3A_107 : memref<10000x128xf32, #tpu.memory_space<hbm>>) target(%arg10 : memref<64x128xf32, #tpu.memory_space<vmem>>) offsets(%dma_start3A_104 : memref<64xi32, #tpu.memory_space<vmem>>) semaphore(%arg12 : memref<!tpu.dma_semaphore, #tpu.memory_space<semaphore_mem>>)
      "tpu.region"() ({
        %run_scoped3A_108 = tpu.sem_alloc : memref<!tpu.dma_semaphore, #tpu.memory_space<semaphore_mem>>
        %dma_start3A_109 = arith.constant 64 : i32
        %dma_start3A_110 = tpu.memref_slice %arg9[%scan3A_81, %dma_start3A_109] : memref<80x128xi32, #tpu.memory_space<vmem>> -> memref<1x64xi32, #tpu.memory_space<vmem>>
        %dma_start3A_111 = tpu.memref_squeeze %dma_start3A_110 : memref<1x64xi32, #tpu.memory_space<vmem>> -> memref<64xi32, #tpu.memory_space<vmem>>
        %dma_start3A_112 = arith.constant 0 : i32
        %dma_start3A_113 = arith.constant 0 : i32
        %dma_start3A_114 = tpu.memref_slice %arg14[%dma_start3A_112, %dma_start3A_113] : memref<10240x128xf32, #tpu.memory_space<vmem_shared>> -> memref<10240x128xf32, #tpu.memory_space<vmem_shared>>
        tpu.enqueue_indirect_dma source(%arg11 : memref<64x128xf32, #tpu.memory_space<vmem>>) target(%dma_start3A_114 : memref<10240x128xf32, #tpu.memory_space<vmem_shared>>) offsets(%dma_start3A_111 : memref<64xi32, #tpu.memory_space<vmem>>) semaphore(%run_scoped3A_108 : memref<!tpu.dma_semaphore, #tpu.memory_space<semaphore_mem>>) {add = true}
        %dma_wait3A_115 = arith.constant 64 : i32
        %dma_wait3A_116 = tpu.memref_slice %arg9[%scan3A_81, %dma_wait3A_115] : memref<80x128xi32, #tpu.memory_space<vmem>> -> memref<1x64xi32, #tpu.memory_space<vmem>>
        %dma_wait3A_117 = tpu.memref_squeeze %dma_wait3A_116 : memref<1x64xi32, #tpu.memory_space<vmem>> -> memref<64xi32, #tpu.memory_space<vmem>>
        %dma_wait3A_118 = arith.constant 0 : i32
        %dma_wait3A_119 = arith.constant 0 : i32
        %dma_wait3A_120 = tpu.memref_slice %arg14[%dma_wait3A_118, %dma_wait3A_119] : memref<10240x128xf32, #tpu.memory_space<vmem_shared>> -> memref<10240x128xf32, #tpu.memory_space<vmem_shared>>
        tpu.wait_indirect_dma semaphore(%run_scoped3A_108 : memref<!tpu.dma_semaphore, #tpu.memory_space<semaphore_mem>>) src(%arg11 : memref<64x128xf32, #tpu.memory_space<vmem>>) dst(%dma_wait3A_120 : memref<10240x128xf32, #tpu.memory_space<vmem_shared>>)
        tpu.yield
      }) : () -> ()
    }
    %scan3A_51 = arith.constant 79 : i32
    %dma_wait3A = arith.constant 79 : i32
    %dma_wait3A_52 = arith.constant 0 : i32
    %dma_wait3A_53 = tpu.memref_slice %arg8[%dma_wait3A, %dma_wait3A_52] : memref<80x128xi32, #tpu.memory_space<vmem>> -> memref<1x64xi32, #tpu.memory_space<vmem>>
    %dma_wait3A_54 = tpu.memref_squeeze %dma_wait3A_53 : memref<1x64xi32, #tpu.memory_space<vmem>> -> memref<64xi32, #tpu.memory_space<vmem>>
    %dma_wait3A_55 = arith.constant 0 : i32
    %dma_wait3A_56 = arith.constant 0 : i32
    %dma_wait3A_57 = tpu.memref_slice %arg2[%dma_wait3A_55, %dma_wait3A_56] : memref<10000x128xf32, #tpu.memory_space<hbm>> -> memref<10000x128xf32, #tpu.memory_space<hbm>>
    tpu.wait_indirect_dma semaphore(%arg12 : memref<!tpu.dma_semaphore, #tpu.memory_space<semaphore_mem>>) src(%dma_wait3A_57 : memref<10000x128xf32, #tpu.memory_space<hbm>>) dst(%arg10 : memref<64x128xf32, #tpu.memory_space<vmem>>)
    %dma_start3A_58 = arith.constant 79 : i32
    %dma_start3A_59 = arith.constant 64 : i32
    %dma_start3A_60 = tpu.memref_slice %arg8[%dma_start3A_58, %dma_start3A_59] : memref<80x128xi32, #tpu.memory_space<vmem>> -> memref<1x64xi32, #tpu.memory_space<vmem>>
    %dma_start3A_61 = tpu.memref_squeeze %dma_start3A_60 : memref<1x64xi32, #tpu.memory_space<vmem>> -> memref<64xi32, #tpu.memory_space<vmem>>
    %dma_start3A_62 = arith.constant 0 : i32
    %dma_start3A_63 = arith.constant 0 : i32
    %dma_start3A_64 = tpu.memref_slice %arg2[%dma_start3A_62, %dma_start3A_63] : memref<10000x128xf32, #tpu.memory_space<hbm>> -> memref<10000x128xf32, #tpu.memory_space<hbm>>
    tpu.enqueue_indirect_dma source(%dma_start3A_64 : memref<10000x128xf32, #tpu.memory_space<hbm>>) target(%arg11 : memref<64x128xf32, #tpu.memory_space<vmem>>) offsets(%dma_start3A_61 : memref<64xi32, #tpu.memory_space<vmem>>) semaphore(%arg13 : memref<!tpu.dma_semaphore, #tpu.memory_space<semaphore_mem>>)
    %run_scoped3A = arith.constant 79 : i32
    "tpu.region"() ({
      %run_scoped3A_81 = tpu.sem_alloc : memref<!tpu.dma_semaphore, #tpu.memory_space<semaphore_mem>>
      %dma_start3A_82 = arith.constant 0 : i32
      %dma_start3A_83 = tpu.memref_slice %arg9[%run_scoped3A, %dma_start3A_82] : memref<80x128xi32, #tpu.memory_space<vmem>> -> memref<1x64xi32, #tpu.memory_space<vmem>>
      %dma_start3A_84 = tpu.memref_squeeze %dma_start3A_83 : memref<1x64xi32, #tpu.memory_space<vmem>> -> memref<64xi32, #tpu.memory_space<vmem>>
      %dma_start3A_85 = arith.constant 0 : i32
      %dma_start3A_86 = arith.constant 0 : i32
      %dma_start3A_87 = tpu.memref_slice %arg14[%dma_start3A_85, %dma_start3A_86] : memref<10240x128xf32, #tpu.memory_space<vmem_shared>> -> memref<10240x128xf32, #tpu.memory_space<vmem_shared>>
      tpu.enqueue_indirect_dma source(%arg10 : memref<64x128xf32, #tpu.memory_space<vmem>>) target(%dma_start3A_87 : memref<10240x128xf32, #tpu.memory_space<vmem_shared>>) offsets(%dma_start3A_84 : memref<64xi32, #tpu.memory_space<vmem>>) semaphore(%run_scoped3A_81 : memref<!tpu.dma_semaphore, #tpu.memory_space<semaphore_mem>>) {add = true}
      %dma_wait3A_88 = arith.constant 0 : i32
      %dma_wait3A_89 = tpu.memref_slice %arg9[%run_scoped3A, %dma_wait3A_88] : memref<80x128xi32, #tpu.memory_space<vmem>> -> memref<1x64xi32, #tpu.memory_space<vmem>>
      %dma_wait3A_90 = tpu.memref_squeeze %dma_wait3A_89 : memref<1x64xi32, #tpu.memory_space<vmem>> -> memref<64xi32, #tpu.memory_space<vmem>>
      %dma_wait3A_91 = arith.constant 0 : i32
      %dma_wait3A_92 = arith.constant 0 : i32
      %dma_wait3A_93 = tpu.memref_slice %arg14[%dma_wait3A_91, %dma_wait3A_92] : memref<10240x128xf32, #tpu.memory_space<vmem_shared>> -> memref<10240x128xf32, #tpu.memory_space<vmem_shared>>
      tpu.wait_indirect_dma semaphore(%run_scoped3A_81 : memref<!tpu.dma_semaphore, #tpu.memory_space<semaphore_mem>>) src(%arg10 : memref<64x128xf32, #tpu.memory_space<vmem>>) dst(%dma_wait3A_93 : memref<10240x128xf32, #tpu.memory_space<vmem_shared>>)
      tpu.yield
    }) : () -> ()
    %dma_wait3A_65 = arith.constant 79 : i32
    %dma_wait3A_66 = arith.constant 64 : i32
    %dma_wait3A_67 = tpu.memref_slice %arg8[%dma_wait3A_65, %dma_wait3A_66] : memref<80x128xi32, #tpu.memory_space<vmem>> -> memref<1x64xi32, #tpu.memory_space<vmem>>
    %dma_wait3A_68 = tpu.memref_squeeze %dma_wait3A_67 : memref<1x64xi32, #tpu.memory_space<vmem>> -> memref<64xi32, #tpu.memory_space<vmem>>
    %dma_wait3A_69 = arith.constant 0 : i32
    %dma_wait3A_70 = arith.constant 0 : i32
    %dma_wait3A_71 = tpu.memref_slice %arg2[%dma_wait3A_69, %dma_wait3A_70] : memref<10000x128xf32, #tpu.memory_space<hbm>> -> memref<10000x128xf32, #tpu.memory_space<hbm>>
    tpu.wait_indirect_dma semaphore(%arg13 : memref<!tpu.dma_semaphore, #tpu.memory_space<semaphore_mem>>) src(%dma_wait3A_71 : memref<10000x128xf32, #tpu.memory_space<hbm>>) dst(%arg11 : memref<64x128xf32, #tpu.memory_space<vmem>>)
    %run_scoped3A_72 = arith.constant 79 : i32
    "tpu.region"() ({
      %run_scoped3A_81 = tpu.sem_alloc : memref<!tpu.dma_semaphore, #tpu.memory_space<semaphore_mem>>
      %dma_start3A_82 = arith.constant 64 : i32
      %dma_start3A_83 = tpu.memref_slice %arg9[%run_scoped3A_72, %dma_start3A_82] : memref<80x128xi32, #tpu.memory_space<vmem>> -> memref<1x64xi32, #tpu.memory_space<vmem>>
      %dma_start3A_84 = tpu.memref_squeeze %dma_start3A_83 : memref<1x64xi32, #tpu.memory_space<vmem>> -> memref<64xi32, #tpu.memory_space<vmem>>
      %dma_start3A_85 = arith.constant 0 : i32
      %dma_start3A_86 = arith.constant 0 : i32
      %dma_start3A_87 = tpu.memref_slice %arg14[%dma_start3A_85, %dma_start3A_86] : memref<10240x128xf32, #tpu.memory_space<vmem_shared>> -> memref<10240x128xf32, #tpu.memory_space<vmem_shared>>
      tpu.enqueue_indirect_dma source(%arg11 : memref<64x128xf32, #tpu.memory_space<vmem>>) target(%dma_start3A_87 : memref<10240x128xf32, #tpu.memory_space<vmem_shared>>) offsets(%dma_start3A_84 : memref<64xi32, #tpu.memory_space<vmem>>) semaphore(%run_scoped3A_81 : memref<!tpu.dma_semaphore, #tpu.memory_space<semaphore_mem>>) {add = true}
      %dma_wait3A_88 = arith.constant 64 : i32
      %dma_wait3A_89 = tpu.memref_slice %arg9[%run_scoped3A_72, %dma_wait3A_88] : memref<80x128xi32, #tpu.memory_space<vmem>> -> memref<1x64xi32, #tpu.memory_space<vmem>>
      %dma_wait3A_90 = tpu.memref_squeeze %dma_wait3A_89 : memref<1x64xi32, #tpu.memory_space<vmem>> -> memref<64xi32, #tpu.memory_space<vmem>>
      %dma_wait3A_91 = arith.constant 0 : i32
      %dma_wait3A_92 = arith.constant 0 : i32
      %dma_wait3A_93 = tpu.memref_slice %arg14[%dma_wait3A_91, %dma_wait3A_92] : memref<10240x128xf32, #tpu.memory_space<vmem_shared>> -> memref<10240x128xf32, #tpu.memory_space<vmem_shared>>
      tpu.wait_indirect_dma semaphore(%run_scoped3A_81 : memref<!tpu.dma_semaphore, #tpu.memory_space<semaphore_mem>>) src(%arg11 : memref<64x128xf32, #tpu.memory_space<vmem>>) dst(%dma_wait3A_93 : memref<10240x128xf32, #tpu.memory_space<vmem_shared>>)
      tpu.yield
    }) : () -> ()
    %barrier3A_73 = arith.constant 0 : index
    tpu.barrier barrier_id(%barrier3A_73)
    %eq3A = arith.constant 0 : i32
    %eq3A_74 = arith.cmpi eq, %arg0, %eq3A : i32
    %convert_element_type3A = arith.extui %eq3A_74 : i1 to i32
    %cond3A = arith.constant 0 : i32
    %cond3A_75 = arith.cmpi ne, %convert_element_type3A, %cond3A : i32
    scf.if %cond3A_75 {
      %mul3A_81 = arith.constant 640 : i32
      %mul3A_82 = arith.muli %arg1, %mul3A_81 : i32
      %mul3A_83 = arith.constant 640 : i32
      %mul3A_84 = arith.muli %arg1, %mul3A_83 : i32
      "tpu.region"() ({
        %run_scoped3A_85 = tpu.sem_alloc : memref<!tpu.dma_semaphore, #tpu.memory_space<semaphore_mem>>
        %dma_start3A_86 = arith.constant 0 : i32
        %dma_start3A_87 = tpu.memref_slice %arg6[%mul3A_84, %dma_start3A_86] : memref<10240x128xf32, #tpu.memory_space<hbm>> -> memref<640x128xf32, #tpu.memory_space<hbm>>
        %dma_start3A_88 = arith.constant 0 : i32
        %dma_start3A_89 = tpu.memref_slice %arg14[%mul3A_82, %dma_start3A_88] : memref<10240x128xf32, #tpu.memory_space<vmem_shared>> -> memref<640x128xf32, #tpu.memory_space<vmem_shared>>
        tpu.enqueue_dma source(%dma_start3A_89 : memref<640x128xf32, #tpu.memory_space<vmem_shared>>) target(%dma_start3A_87 : memref<640x128xf32, #tpu.memory_space<hbm>>) target_semaphore(%run_scoped3A_85 : memref<!tpu.dma_semaphore, #tpu.memory_space<semaphore_mem>>)
        %dma_wait3A_90 = arith.constant 0 : i32
        %dma_wait3A_91 = tpu.memref_slice %arg6[%mul3A_84, %dma_wait3A_90] : memref<10240x128xf32, #tpu.memory_space<hbm>> -> memref<640x128xf32, #tpu.memory_space<hbm>>
        %dma_wait3A_92 = arith.constant 0 : i32
        %dma_wait3A_93 = tpu.memref_slice %arg14[%mul3A_82, %dma_wait3A_92] : memref<10240x128xf32, #tpu.memory_space<vmem_shared>> -> memref<640x128xf32, #tpu.memory_space<vmem_shared>>
        tpu.wait_dma2 semaphore(%run_scoped3A_85 : memref<!tpu.dma_semaphore, #tpu.memory_space<semaphore_mem>>) src(%dma_wait3A_93 : memref<640x128xf32, #tpu.memory_space<vmem_shared>>) dst(%dma_wait3A_91 : memref<640x128xf32, #tpu.memory_space<hbm>>)
        tpu.yield
      }) : () -> ()
    } else {
    }
    %eq3A_76 = arith.constant 1 : i32
    %eq3A_77 = arith.cmpi eq, %arg0, %eq3A_76 : i32
    %convert_element_type3A_78 = arith.extui %eq3A_77 : i1 to i32
    %cond3A_79 = arith.constant 0 : i32
    %cond3A_80 = arith.cmpi ne, %convert_element_type3A_78, %cond3A_79 : i32
    scf.if %cond3A_80 {
      %mul3A_81 = arith.constant 640 : i32
      %mul3A_82 = arith.muli %arg1, %mul3A_81 : i32
      %mul3A_83 = arith.constant 640 : i32
      %mul3A_84 = arith.muli %arg1, %mul3A_83 : i32
      "tpu.region"() ({
        %run_scoped3A_85 = tpu.sem_alloc : memref<!tpu.dma_semaphore, #tpu.memory_space<semaphore_mem>>
        %dma_start3A_86 = arith.constant 0 : i32
        %dma_start3A_87 = tpu.memref_slice %arg7[%mul3A_84, %dma_start3A_86] : memref<10240x128xf32, #tpu.memory_space<hbm>> -> memref<640x128xf32, #tpu.memory_space<hbm>>
        %dma_start3A_88 = arith.constant 0 : i32
        %dma_start3A_89 = tpu.memref_slice %arg14[%mul3A_82, %dma_start3A_88] : memref<10240x128xf32, #tpu.memory_space<vmem_shared>> -> memref<640x128xf32, #tpu.memory_space<vmem_shared>>
        tpu.enqueue_dma source(%dma_start3A_89 : memref<640x128xf32, #tpu.memory_space<vmem_shared>>) target(%dma_start3A_87 : memref<640x128xf32, #tpu.memory_space<hbm>>) target_semaphore(%run_scoped3A_85 : memref<!tpu.dma_semaphore, #tpu.memory_space<semaphore_mem>>)
        %dma_wait3A_90 = arith.constant 0 : i32
        %dma_wait3A_91 = tpu.memref_slice %arg7[%mul3A_84, %dma_wait3A_90] : memref<10240x128xf32, #tpu.memory_space<hbm>> -> memref<640x128xf32, #tpu.memory_space<hbm>>
        %dma_wait3A_92 = arith.constant 0 : i32
        %dma_wait3A_93 = tpu.memref_slice %arg14[%mul3A_82, %dma_wait3A_92] : memref<10240x128xf32, #tpu.memory_space<vmem_shared>> -> memref<640x128xf32, #tpu.memory_space<vmem_shared>>
        tpu.wait_dma2 semaphore(%run_scoped3A_85 : memref<!tpu.dma_semaphore, #tpu.memory_space<semaphore_mem>>) src(%dma_wait3A_93 : memref<640x128xf32, #tpu.memory_space<vmem_shared>>) dst(%dma_wait3A_91 : memref<640x128xf32, #tpu.memory_space<hbm>>)
        tpu.yield
      }) : () -> ()
    } else {
    }
    return
  }
}

#map = affine_map<(d0, d1) -> (0, 0, 0)>
#map1 = affine_map<(d0, d1) -> (0, 0)>
module attributes {stable_mosaic.version = 14 : i64} {
  func.func @_deg_body(%arg0: i32, %arg1: i32, %arg2: memref<32x125x80xi32, #tpu.memory_space<hbm>>, %arg3: memref<80x128xf32, #tpu.memory_space<hbm>>, %arg4: memref<80x128xf32, #tpu.memory_space<hbm>>, %arg5: memref<10240x128xf32, #tpu.memory_space<hbm>>, %arg6: memref<10240x128xf32, #tpu.memory_space<hbm>>, %arg7: memref<125x80xi32, #tpu.memory_space<vmem>>, %arg8: memref<80x128xf32, #tpu.memory_space<vmem>>, %arg9: memref<80x128xf32, #tpu.memory_space<vmem>>, %arg10: memref<10240x128xf32, #tpu.memory_space<vmem_shared>>) attributes {dimension_semantics = [#tpu.dimension_semantics<core_parallel>, #tpu.dimension_semantics<subcore_parallel>], iteration_bounds = array<i64: 2, 16>, scalar_prefetch = 0 : i64, scratch_operands = 4 : i64, tpu.core_type = #tpu.core_type<sc_vector_subcore>, window_params = [{transform_indices = #map}, {transform_indices = #map1}, {transform_indices = #map1}, {transform_indices = #map1}, {transform_indices = #map1}]} {
    %mul3A = arith.constant 2 : i32
    %mul3A_0 = arith.muli %arg1, %mul3A : i32
    %add3A = arith.addi %mul3A_0, %arg0 : i32
    "tpu.region"() ({
      %run_scoped3A = tpu.sem_alloc : memref<!tpu.dma_semaphore, #tpu.memory_space<semaphore_mem>>
      %dma_start3A = arith.constant 0 : i32
      %dma_start3A_46 = arith.constant 0 : i32
      %dma_start3A_47 = tpu.memref_slice %arg2[%add3A, %dma_start3A, %dma_start3A_46] : memref<32x125x80xi32, #tpu.memory_space<hbm>> -> memref<1x125x80xi32, #tpu.memory_space<hbm>>
      %dma_start3A_48 = tpu.memref_squeeze %dma_start3A_47 : memref<1x125x80xi32, #tpu.memory_space<hbm>> -> memref<125x80xi32, #tpu.memory_space<hbm>>
      %dma_start3A_49 = arith.constant 0 : i32
      %dma_start3A_50 = arith.constant 0 : i32
      %dma_start3A_51 = tpu.memref_slice %arg2[%add3A, %dma_start3A_49, %dma_start3A_50] : memref<32x125x80xi32, #tpu.memory_space<hbm>> -> memref<1x125x80xi32, #tpu.memory_space<hbm>>
      %dma_start3A_52 = tpu.memref_squeeze %dma_start3A_51 : memref<1x125x80xi32, #tpu.memory_space<hbm>> -> memref<125x80xi32, #tpu.memory_space<hbm>>
      tpu.enqueue_dma source(%dma_start3A_52 : memref<125x80xi32, #tpu.memory_space<hbm>>) target(%arg7 : memref<125x80xi32, #tpu.memory_space<vmem>>) target_semaphore(%run_scoped3A : memref<!tpu.dma_semaphore, #tpu.memory_space<semaphore_mem>>)
      %dma_wait3A = arith.constant 0 : i32
      %dma_wait3A_53 = arith.constant 0 : i32
      %dma_wait3A_54 = tpu.memref_slice %arg2[%add3A, %dma_wait3A, %dma_wait3A_53] : memref<32x125x80xi32, #tpu.memory_space<hbm>> -> memref<1x125x80xi32, #tpu.memory_space<hbm>>
      %dma_wait3A_55 = tpu.memref_squeeze %dma_wait3A_54 : memref<1x125x80xi32, #tpu.memory_space<hbm>> -> memref<125x80xi32, #tpu.memory_space<hbm>>
      %dma_wait3A_56 = arith.constant 0 : i32
      %dma_wait3A_57 = arith.constant 0 : i32
      %dma_wait3A_58 = tpu.memref_slice %arg2[%add3A, %dma_wait3A_56, %dma_wait3A_57] : memref<32x125x80xi32, #tpu.memory_space<hbm>> -> memref<1x125x80xi32, #tpu.memory_space<hbm>>
      %dma_wait3A_59 = tpu.memref_squeeze %dma_wait3A_58 : memref<1x125x80xi32, #tpu.memory_space<hbm>> -> memref<125x80xi32, #tpu.memory_space<hbm>>
      tpu.wait_dma2 semaphore(%run_scoped3A : memref<!tpu.dma_semaphore, #tpu.memory_space<semaphore_mem>>) src(%dma_wait3A_59 : memref<125x80xi32, #tpu.memory_space<hbm>>) dst(%arg7 : memref<125x80xi32, #tpu.memory_space<vmem>>)
      tpu.yield
    }) : () -> ()
    "tpu.region"() ({
      %run_scoped3A = tpu.sem_alloc : memref<!tpu.dma_semaphore, #tpu.memory_space<semaphore_mem>>
      tpu.enqueue_dma source(%arg3 : memref<80x128xf32, #tpu.memory_space<hbm>>) target(%arg8 : memref<80x128xf32, #tpu.memory_space<vmem>>) target_semaphore(%run_scoped3A : memref<!tpu.dma_semaphore, #tpu.memory_space<semaphore_mem>>)
      tpu.wait_dma2 semaphore(%run_scoped3A : memref<!tpu.dma_semaphore, #tpu.memory_space<semaphore_mem>>) src(%arg3 : memref<80x128xf32, #tpu.memory_space<hbm>>) dst(%arg8 : memref<80x128xf32, #tpu.memory_space<vmem>>)
      tpu.yield
    }) : () -> ()
    "tpu.region"() ({
      %run_scoped3A = tpu.sem_alloc : memref<!tpu.dma_semaphore, #tpu.memory_space<semaphore_mem>>
      tpu.enqueue_dma source(%arg4 : memref<80x128xf32, #tpu.memory_space<hbm>>) target(%arg9 : memref<80x128xf32, #tpu.memory_space<vmem>>) target_semaphore(%run_scoped3A : memref<!tpu.dma_semaphore, #tpu.memory_space<semaphore_mem>>)
      tpu.wait_dma2 semaphore(%run_scoped3A : memref<!tpu.dma_semaphore, #tpu.memory_space<semaphore_mem>>) src(%arg4 : memref<80x128xf32, #tpu.memory_space<hbm>>) dst(%arg9 : memref<80x128xf32, #tpu.memory_space<vmem>>)
      tpu.yield
    }) : () -> ()
    %mul3A_1 = arith.constant 640 : i32
    %mul3A_2 = arith.muli %arg1, %mul3A_1 : i32
    %add3A_3 = arith.constant 0 : i32
    %add3A_4 = arith.addi %mul3A_2, %add3A_3 : i32
    "tpu.region"() ({
      %run_scoped3A = tpu.sem_alloc : memref<!tpu.dma_semaphore, #tpu.memory_space<semaphore_mem>>
      %dma_start3A = arith.constant 0 : i32
      %dma_start3A_46 = tpu.memref_slice %arg10[%add3A_4, %dma_start3A] : memref<10240x128xf32, #tpu.memory_space<vmem_shared>> -> memref<80x128xf32, #tpu.memory_space<vmem_shared>>
      %dma_start3A_47 = arith.constant 0 : i32
      %dma_start3A_48 = tpu.memref_slice %arg10[%add3A_4, %dma_start3A_47] : memref<10240x128xf32, #tpu.memory_space<vmem_shared>> -> memref<80x128xf32, #tpu.memory_space<vmem_shared>>
      tpu.enqueue_dma source(%arg9 : memref<80x128xf32, #tpu.memory_space<vmem>>) target(%dma_start3A_48 : memref<80x128xf32, #tpu.memory_space<vmem_shared>>) target_semaphore(%run_scoped3A : memref<!tpu.dma_semaphore, #tpu.memory_space<semaphore_mem>>)
      %dma_wait3A = arith.constant 0 : i32
      %dma_wait3A_49 = tpu.memref_slice %arg10[%add3A_4, %dma_wait3A] : memref<10240x128xf32, #tpu.memory_space<vmem_shared>> -> memref<80x128xf32, #tpu.memory_space<vmem_shared>>
      %dma_wait3A_50 = arith.constant 0 : i32
      %dma_wait3A_51 = tpu.memref_slice %arg10[%add3A_4, %dma_wait3A_50] : memref<10240x128xf32, #tpu.memory_space<vmem_shared>> -> memref<80x128xf32, #tpu.memory_space<vmem_shared>>
      tpu.wait_dma2 semaphore(%run_scoped3A : memref<!tpu.dma_semaphore, #tpu.memory_space<semaphore_mem>>) src(%arg9 : memref<80x128xf32, #tpu.memory_space<vmem>>) dst(%dma_wait3A_51 : memref<80x128xf32, #tpu.memory_space<vmem_shared>>)
      tpu.yield
    }) : () -> ()
    %mul3A_5 = arith.constant 640 : i32
    %mul3A_6 = arith.muli %arg1, %mul3A_5 : i32
    %add3A_7 = arith.constant 80 : i32
    %add3A_8 = arith.addi %mul3A_6, %add3A_7 : i32
    "tpu.region"() ({
      %run_scoped3A = tpu.sem_alloc : memref<!tpu.dma_semaphore, #tpu.memory_space<semaphore_mem>>
      %dma_start3A = arith.constant 0 : i32
      %dma_start3A_46 = tpu.memref_slice %arg10[%add3A_8, %dma_start3A] : memref<10240x128xf32, #tpu.memory_space<vmem_shared>> -> memref<80x128xf32, #tpu.memory_space<vmem_shared>>
      %dma_start3A_47 = arith.constant 0 : i32
      %dma_start3A_48 = tpu.memref_slice %arg10[%add3A_8, %dma_start3A_47] : memref<10240x128xf32, #tpu.memory_space<vmem_shared>> -> memref<80x128xf32, #tpu.memory_space<vmem_shared>>
      tpu.enqueue_dma source(%arg9 : memref<80x128xf32, #tpu.memory_space<vmem>>) target(%dma_start3A_48 : memref<80x128xf32, #tpu.memory_space<vmem_shared>>) target_semaphore(%run_scoped3A : memref<!tpu.dma_semaphore, #tpu.memory_space<semaphore_mem>>)
      %dma_wait3A = arith.constant 0 : i32
      %dma_wait3A_49 = tpu.memref_slice %arg10[%add3A_8, %dma_wait3A] : memref<10240x128xf32, #tpu.memory_space<vmem_shared>> -> memref<80x128xf32, #tpu.memory_space<vmem_shared>>
      %dma_wait3A_50 = arith.constant 0 : i32
      %dma_wait3A_51 = tpu.memref_slice %arg10[%add3A_8, %dma_wait3A_50] : memref<10240x128xf32, #tpu.memory_space<vmem_shared>> -> memref<80x128xf32, #tpu.memory_space<vmem_shared>>
      tpu.wait_dma2 semaphore(%run_scoped3A : memref<!tpu.dma_semaphore, #tpu.memory_space<semaphore_mem>>) src(%arg9 : memref<80x128xf32, #tpu.memory_space<vmem>>) dst(%dma_wait3A_51 : memref<80x128xf32, #tpu.memory_space<vmem_shared>>)
      tpu.yield
    }) : () -> ()
    %mul3A_9 = arith.constant 640 : i32
    %mul3A_10 = arith.muli %arg1, %mul3A_9 : i32
    %add3A_11 = arith.constant 160 : i32
    %add3A_12 = arith.addi %mul3A_10, %add3A_11 : i32
    "tpu.region"() ({
      %run_scoped3A = tpu.sem_alloc : memref<!tpu.dma_semaphore, #tpu.memory_space<semaphore_mem>>
      %dma_start3A = arith.constant 0 : i32
      %dma_start3A_46 = tpu.memref_slice %arg10[%add3A_12, %dma_start3A] : memref<10240x128xf32, #tpu.memory_space<vmem_shared>> -> memref<80x128xf32, #tpu.memory_space<vmem_shared>>
      %dma_start3A_47 = arith.constant 0 : i32
      %dma_start3A_48 = tpu.memref_slice %arg10[%add3A_12, %dma_start3A_47] : memref<10240x128xf32, #tpu.memory_space<vmem_shared>> -> memref<80x128xf32, #tpu.memory_space<vmem_shared>>
      tpu.enqueue_dma source(%arg9 : memref<80x128xf32, #tpu.memory_space<vmem>>) target(%dma_start3A_48 : memref<80x128xf32, #tpu.memory_space<vmem_shared>>) target_semaphore(%run_scoped3A : memref<!tpu.dma_semaphore, #tpu.memory_space<semaphore_mem>>)
      %dma_wait3A = arith.constant 0 : i32
      %dma_wait3A_49 = tpu.memref_slice %arg10[%add3A_12, %dma_wait3A] : memref<10240x128xf32, #tpu.memory_space<vmem_shared>> -> memref<80x128xf32, #tpu.memory_space<vmem_shared>>
      %dma_wait3A_50 = arith.constant 0 : i32
      %dma_wait3A_51 = tpu.memref_slice %arg10[%add3A_12, %dma_wait3A_50] : memref<10240x128xf32, #tpu.memory_space<vmem_shared>> -> memref<80x128xf32, #tpu.memory_space<vmem_shared>>
      tpu.wait_dma2 semaphore(%run_scoped3A : memref<!tpu.dma_semaphore, #tpu.memory_space<semaphore_mem>>) src(%arg9 : memref<80x128xf32, #tpu.memory_space<vmem>>) dst(%dma_wait3A_51 : memref<80x128xf32, #tpu.memory_space<vmem_shared>>)
      tpu.yield
    }) : () -> ()
    %mul3A_13 = arith.constant 640 : i32
    %mul3A_14 = arith.muli %arg1, %mul3A_13 : i32
    %add3A_15 = arith.constant 240 : i32
    %add3A_16 = arith.addi %mul3A_14, %add3A_15 : i32
    "tpu.region"() ({
      %run_scoped3A = tpu.sem_alloc : memref<!tpu.dma_semaphore, #tpu.memory_space<semaphore_mem>>
      %dma_start3A = arith.constant 0 : i32
      %dma_start3A_46 = tpu.memref_slice %arg10[%add3A_16, %dma_start3A] : memref<10240x128xf32, #tpu.memory_space<vmem_shared>> -> memref<80x128xf32, #tpu.memory_space<vmem_shared>>
      %dma_start3A_47 = arith.constant 0 : i32
      %dma_start3A_48 = tpu.memref_slice %arg10[%add3A_16, %dma_start3A_47] : memref<10240x128xf32, #tpu.memory_space<vmem_shared>> -> memref<80x128xf32, #tpu.memory_space<vmem_shared>>
      tpu.enqueue_dma source(%arg9 : memref<80x128xf32, #tpu.memory_space<vmem>>) target(%dma_start3A_48 : memref<80x128xf32, #tpu.memory_space<vmem_shared>>) target_semaphore(%run_scoped3A : memref<!tpu.dma_semaphore, #tpu.memory_space<semaphore_mem>>)
      %dma_wait3A = arith.constant 0 : i32
      %dma_wait3A_49 = tpu.memref_slice %arg10[%add3A_16, %dma_wait3A] : memref<10240x128xf32, #tpu.memory_space<vmem_shared>> -> memref<80x128xf32, #tpu.memory_space<vmem_shared>>
      %dma_wait3A_50 = arith.constant 0 : i32
      %dma_wait3A_51 = tpu.memref_slice %arg10[%add3A_16, %dma_wait3A_50] : memref<10240x128xf32, #tpu.memory_space<vmem_shared>> -> memref<80x128xf32, #tpu.memory_space<vmem_shared>>
      tpu.wait_dma2 semaphore(%run_scoped3A : memref<!tpu.dma_semaphore, #tpu.memory_space<semaphore_mem>>) src(%arg9 : memref<80x128xf32, #tpu.memory_space<vmem>>) dst(%dma_wait3A_51 : memref<80x128xf32, #tpu.memory_space<vmem_shared>>)
      tpu.yield
    }) : () -> ()
    %mul3A_17 = arith.constant 640 : i32
    %mul3A_18 = arith.muli %arg1, %mul3A_17 : i32
    %add3A_19 = arith.constant 320 : i32
    %add3A_20 = arith.addi %mul3A_18, %add3A_19 : i32
    "tpu.region"() ({
      %run_scoped3A = tpu.sem_alloc : memref<!tpu.dma_semaphore, #tpu.memory_space<semaphore_mem>>
      %dma_start3A = arith.constant 0 : i32
      %dma_start3A_46 = tpu.memref_slice %arg10[%add3A_20, %dma_start3A] : memref<10240x128xf32, #tpu.memory_space<vmem_shared>> -> memref<80x128xf32, #tpu.memory_space<vmem_shared>>
      %dma_start3A_47 = arith.constant 0 : i32
      %dma_start3A_48 = tpu.memref_slice %arg10[%add3A_20, %dma_start3A_47] : memref<10240x128xf32, #tpu.memory_space<vmem_shared>> -> memref<80x128xf32, #tpu.memory_space<vmem_shared>>
      tpu.enqueue_dma source(%arg9 : memref<80x128xf32, #tpu.memory_space<vmem>>) target(%dma_start3A_48 : memref<80x128xf32, #tpu.memory_space<vmem_shared>>) target_semaphore(%run_scoped3A : memref<!tpu.dma_semaphore, #tpu.memory_space<semaphore_mem>>)
      %dma_wait3A = arith.constant 0 : i32
      %dma_wait3A_49 = tpu.memref_slice %arg10[%add3A_20, %dma_wait3A] : memref<10240x128xf32, #tpu.memory_space<vmem_shared>> -> memref<80x128xf32, #tpu.memory_space<vmem_shared>>
      %dma_wait3A_50 = arith.constant 0 : i32
      %dma_wait3A_51 = tpu.memref_slice %arg10[%add3A_20, %dma_wait3A_50] : memref<10240x128xf32, #tpu.memory_space<vmem_shared>> -> memref<80x128xf32, #tpu.memory_space<vmem_shared>>
      tpu.wait_dma2 semaphore(%run_scoped3A : memref<!tpu.dma_semaphore, #tpu.memory_space<semaphore_mem>>) src(%arg9 : memref<80x128xf32, #tpu.memory_space<vmem>>) dst(%dma_wait3A_51 : memref<80x128xf32, #tpu.memory_space<vmem_shared>>)
      tpu.yield
    }) : () -> ()
    %mul3A_21 = arith.constant 640 : i32
    %mul3A_22 = arith.muli %arg1, %mul3A_21 : i32
    %add3A_23 = arith.constant 400 : i32
    %add3A_24 = arith.addi %mul3A_22, %add3A_23 : i32
    "tpu.region"() ({
      %run_scoped3A = tpu.sem_alloc : memref<!tpu.dma_semaphore, #tpu.memory_space<semaphore_mem>>
      %dma_start3A = arith.constant 0 : i32
      %dma_start3A_46 = tpu.memref_slice %arg10[%add3A_24, %dma_start3A] : memref<10240x128xf32, #tpu.memory_space<vmem_shared>> -> memref<80x128xf32, #tpu.memory_space<vmem_shared>>
      %dma_start3A_47 = arith.constant 0 : i32
      %dma_start3A_48 = tpu.memref_slice %arg10[%add3A_24, %dma_start3A_47] : memref<10240x128xf32, #tpu.memory_space<vmem_shared>> -> memref<80x128xf32, #tpu.memory_space<vmem_shared>>
      tpu.enqueue_dma source(%arg9 : memref<80x128xf32, #tpu.memory_space<vmem>>) target(%dma_start3A_48 : memref<80x128xf32, #tpu.memory_space<vmem_shared>>) target_semaphore(%run_scoped3A : memref<!tpu.dma_semaphore, #tpu.memory_space<semaphore_mem>>)
      %dma_wait3A = arith.constant 0 : i32
      %dma_wait3A_49 = tpu.memref_slice %arg10[%add3A_24, %dma_wait3A] : memref<10240x128xf32, #tpu.memory_space<vmem_shared>> -> memref<80x128xf32, #tpu.memory_space<vmem_shared>>
      %dma_wait3A_50 = arith.constant 0 : i32
      %dma_wait3A_51 = tpu.memref_slice %arg10[%add3A_24, %dma_wait3A_50] : memref<10240x128xf32, #tpu.memory_space<vmem_shared>> -> memref<80x128xf32, #tpu.memory_space<vmem_shared>>
      tpu.wait_dma2 semaphore(%run_scoped3A : memref<!tpu.dma_semaphore, #tpu.memory_space<semaphore_mem>>) src(%arg9 : memref<80x128xf32, #tpu.memory_space<vmem>>) dst(%dma_wait3A_51 : memref<80x128xf32, #tpu.memory_space<vmem_shared>>)
      tpu.yield
    }) : () -> ()
    %mul3A_25 = arith.constant 640 : i32
    %mul3A_26 = arith.muli %arg1, %mul3A_25 : i32
    %add3A_27 = arith.constant 480 : i32
    %add3A_28 = arith.addi %mul3A_26, %add3A_27 : i32
    "tpu.region"() ({
      %run_scoped3A = tpu.sem_alloc : memref<!tpu.dma_semaphore, #tpu.memory_space<semaphore_mem>>
      %dma_start3A = arith.constant 0 : i32
      %dma_start3A_46 = tpu.memref_slice %arg10[%add3A_28, %dma_start3A] : memref<10240x128xf32, #tpu.memory_space<vmem_shared>> -> memref<80x128xf32, #tpu.memory_space<vmem_shared>>
      %dma_start3A_47 = arith.constant 0 : i32
      %dma_start3A_48 = tpu.memref_slice %arg10[%add3A_28, %dma_start3A_47] : memref<10240x128xf32, #tpu.memory_space<vmem_shared>> -> memref<80x128xf32, #tpu.memory_space<vmem_shared>>
      tpu.enqueue_dma source(%arg9 : memref<80x128xf32, #tpu.memory_space<vmem>>) target(%dma_start3A_48 : memref<80x128xf32, #tpu.memory_space<vmem_shared>>) target_semaphore(%run_scoped3A : memref<!tpu.dma_semaphore, #tpu.memory_space<semaphore_mem>>)
      %dma_wait3A = arith.constant 0 : i32
      %dma_wait3A_49 = tpu.memref_slice %arg10[%add3A_28, %dma_wait3A] : memref<10240x128xf32, #tpu.memory_space<vmem_shared>> -> memref<80x128xf32, #tpu.memory_space<vmem_shared>>
      %dma_wait3A_50 = arith.constant 0 : i32
      %dma_wait3A_51 = tpu.memref_slice %arg10[%add3A_28, %dma_wait3A_50] : memref<10240x128xf32, #tpu.memory_space<vmem_shared>> -> memref<80x128xf32, #tpu.memory_space<vmem_shared>>
      tpu.wait_dma2 semaphore(%run_scoped3A : memref<!tpu.dma_semaphore, #tpu.memory_space<semaphore_mem>>) src(%arg9 : memref<80x128xf32, #tpu.memory_space<vmem>>) dst(%dma_wait3A_51 : memref<80x128xf32, #tpu.memory_space<vmem_shared>>)
      tpu.yield
    }) : () -> ()
    %mul3A_29 = arith.constant 640 : i32
    %mul3A_30 = arith.muli %arg1, %mul3A_29 : i32
    %add3A_31 = arith.constant 560 : i32
    %add3A_32 = arith.addi %mul3A_30, %add3A_31 : i32
    "tpu.region"() ({
      %run_scoped3A = tpu.sem_alloc : memref<!tpu.dma_semaphore, #tpu.memory_space<semaphore_mem>>
      %dma_start3A = arith.constant 0 : i32
      %dma_start3A_46 = tpu.memref_slice %arg10[%add3A_32, %dma_start3A] : memref<10240x128xf32, #tpu.memory_space<vmem_shared>> -> memref<80x128xf32, #tpu.memory_space<vmem_shared>>
      %dma_start3A_47 = arith.constant 0 : i32
      %dma_start3A_48 = tpu.memref_slice %arg10[%add3A_32, %dma_start3A_47] : memref<10240x128xf32, #tpu.memory_space<vmem_shared>> -> memref<80x128xf32, #tpu.memory_space<vmem_shared>>
      tpu.enqueue_dma source(%arg9 : memref<80x128xf32, #tpu.memory_space<vmem>>) target(%dma_start3A_48 : memref<80x128xf32, #tpu.memory_space<vmem_shared>>) target_semaphore(%run_scoped3A : memref<!tpu.dma_semaphore, #tpu.memory_space<semaphore_mem>>)
      %dma_wait3A = arith.constant 0 : i32
      %dma_wait3A_49 = tpu.memref_slice %arg10[%add3A_32, %dma_wait3A] : memref<10240x128xf32, #tpu.memory_space<vmem_shared>> -> memref<80x128xf32, #tpu.memory_space<vmem_shared>>
      %dma_wait3A_50 = arith.constant 0 : i32
      %dma_wait3A_51 = tpu.memref_slice %arg10[%add3A_32, %dma_wait3A_50] : memref<10240x128xf32, #tpu.memory_space<vmem_shared>> -> memref<80x128xf32, #tpu.memory_space<vmem_shared>>
      tpu.wait_dma2 semaphore(%run_scoped3A : memref<!tpu.dma_semaphore, #tpu.memory_space<semaphore_mem>>) src(%arg9 : memref<80x128xf32, #tpu.memory_space<vmem>>) dst(%dma_wait3A_51 : memref<80x128xf32, #tpu.memory_space<vmem_shared>>)
      tpu.yield
    }) : () -> ()
    %barrier3A = arith.constant 0 : index
    tpu.barrier barrier_id(%barrier3A)
    %scan3A = arith.constant 0 : i32
    %scan3A_33 = arith.constant 0 : i32
    %scan3A_34 = arith.constant 125 : i32
    %scan3A_35 = arith.addi %scan3A_33, %scan3A_34 : i32
    %scan3A_36 = arith.constant 1 : i32
    scf.for %scan3A_46 = %scan3A_33 to %scan3A_35 step %scan3A_36  : i32 {
      "tpu.region"() ({
        %run_scoped3A = tpu.sem_alloc : memref<!tpu.dma_semaphore, #tpu.memory_space<semaphore_mem>>
        %dma_start3A = arith.constant 0 : i32
        %dma_start3A_47 = tpu.memref_slice %arg7[%scan3A_46, %dma_start3A] : memref<125x80xi32, #tpu.memory_space<vmem>> -> memref<1x80xi32, #tpu.memory_space<vmem>>
        %dma_start3A_48 = tpu.memref_squeeze %dma_start3A_47 : memref<1x80xi32, #tpu.memory_space<vmem>> -> memref<80xi32, #tpu.memory_space<vmem>>
        %dma_start3A_49 = arith.constant 0 : i32
        %dma_start3A_50 = arith.constant 0 : i32
        %dma_start3A_51 = tpu.memref_slice %arg10[%dma_start3A_49, %dma_start3A_50] : memref<10240x128xf32, #tpu.memory_space<vmem_shared>> -> memref<10240x128xf32, #tpu.memory_space<vmem_shared>>
        tpu.enqueue_indirect_dma source(%arg8 : memref<80x128xf32, #tpu.memory_space<vmem>>) target(%dma_start3A_51 : memref<10240x128xf32, #tpu.memory_space<vmem_shared>>) offsets(%dma_start3A_48 : memref<80xi32, #tpu.memory_space<vmem>>) semaphore(%run_scoped3A : memref<!tpu.dma_semaphore, #tpu.memory_space<semaphore_mem>>) {add = true}
        %dma_wait3A = arith.constant 0 : i32
        %dma_wait3A_52 = tpu.memref_slice %arg7[%scan3A_46, %dma_wait3A] : memref<125x80xi32, #tpu.memory_space<vmem>> -> memref<1x80xi32, #tpu.memory_space<vmem>>
        %dma_wait3A_53 = tpu.memref_squeeze %dma_wait3A_52 : memref<1x80xi32, #tpu.memory_space<vmem>> -> memref<80xi32, #tpu.memory_space<vmem>>
        %dma_wait3A_54 = arith.constant 0 : i32
        %dma_wait3A_55 = arith.constant 0 : i32
        %dma_wait3A_56 = tpu.memref_slice %arg10[%dma_wait3A_54, %dma_wait3A_55] : memref<10240x128xf32, #tpu.memory_space<vmem_shared>> -> memref<10240x128xf32, #tpu.memory_space<vmem_shared>>
        tpu.wait_indirect_dma semaphore(%run_scoped3A : memref<!tpu.dma_semaphore, #tpu.memory_space<semaphore_mem>>) src(%arg8 : memref<80x128xf32, #tpu.memory_space<vmem>>) dst(%dma_wait3A_56 : memref<10240x128xf32, #tpu.memory_space<vmem_shared>>)
        tpu.yield
      }) : () -> ()
    }
    %scan3A_37 = arith.constant 125 : i32
    %barrier3A_38 = arith.constant 0 : index
    tpu.barrier barrier_id(%barrier3A_38)
    %eq3A = arith.constant 0 : i32
    %eq3A_39 = arith.cmpi eq, %arg0, %eq3A : i32
    %convert_element_type3A = arith.extui %eq3A_39 : i1 to i32
    %cond3A = arith.constant 0 : i32
    %cond3A_40 = arith.cmpi ne, %convert_element_type3A, %cond3A : i32
    scf.if %cond3A_40 {
      %mul3A_46 = arith.constant 640 : i32
      %mul3A_47 = arith.muli %arg1, %mul3A_46 : i32
      %mul3A_48 = arith.constant 640 : i32
      %mul3A_49 = arith.muli %arg1, %mul3A_48 : i32
      "tpu.region"() ({
        %run_scoped3A = tpu.sem_alloc : memref<!tpu.dma_semaphore, #tpu.memory_space<semaphore_mem>>
        %dma_start3A = arith.constant 0 : i32
        %dma_start3A_50 = tpu.memref_slice %arg5[%mul3A_49, %dma_start3A] : memref<10240x128xf32, #tpu.memory_space<hbm>> -> memref<640x128xf32, #tpu.memory_space<hbm>>
        %dma_start3A_51 = arith.constant 0 : i32
        %dma_start3A_52 = tpu.memref_slice %arg10[%mul3A_47, %dma_start3A_51] : memref<10240x128xf32, #tpu.memory_space<vmem_shared>> -> memref<640x128xf32, #tpu.memory_space<vmem_shared>>
        tpu.enqueue_dma source(%dma_start3A_52 : memref<640x128xf32, #tpu.memory_space<vmem_shared>>) target(%dma_start3A_50 : memref<640x128xf32, #tpu.memory_space<hbm>>) target_semaphore(%run_scoped3A : memref<!tpu.dma_semaphore, #tpu.memory_space<semaphore_mem>>)
        %dma_wait3A = arith.constant 0 : i32
        %dma_wait3A_53 = tpu.memref_slice %arg5[%mul3A_49, %dma_wait3A] : memref<10240x128xf32, #tpu.memory_space<hbm>> -> memref<640x128xf32, #tpu.memory_space<hbm>>
        %dma_wait3A_54 = arith.constant 0 : i32
        %dma_wait3A_55 = tpu.memref_slice %arg10[%mul3A_47, %dma_wait3A_54] : memref<10240x128xf32, #tpu.memory_space<vmem_shared>> -> memref<640x128xf32, #tpu.memory_space<vmem_shared>>
        tpu.wait_dma2 semaphore(%run_scoped3A : memref<!tpu.dma_semaphore, #tpu.memory_space<semaphore_mem>>) src(%dma_wait3A_55 : memref<640x128xf32, #tpu.memory_space<vmem_shared>>) dst(%dma_wait3A_53 : memref<640x128xf32, #tpu.memory_space<hbm>>)
        tpu.yield
      }) : () -> ()
    } else {
    }
    %eq3A_41 = arith.constant 1 : i32
    %eq3A_42 = arith.cmpi eq, %arg0, %eq3A_41 : i32
    %convert_element_type3A_43 = arith.extui %eq3A_42 : i1 to i32
    %cond3A_44 = arith.constant 0 : i32
    %cond3A_45 = arith.cmpi ne, %convert_element_type3A_43, %cond3A_44 : i32
    scf.if %cond3A_45 {
      %mul3A_46 = arith.constant 640 : i32
      %mul3A_47 = arith.muli %arg1, %mul3A_46 : i32
      %mul3A_48 = arith.constant 640 : i32
      %mul3A_49 = arith.muli %arg1, %mul3A_48 : i32
      "tpu.region"() ({
        %run_scoped3A = tpu.sem_alloc : memref<!tpu.dma_semaphore, #tpu.memory_space<semaphore_mem>>
        %dma_start3A = arith.constant 0 : i32
        %dma_start3A_50 = tpu.memref_slice %arg6[%mul3A_49, %dma_start3A] : memref<10240x128xf32, #tpu.memory_space<hbm>> -> memref<640x128xf32, #tpu.memory_space<hbm>>
        %dma_start3A_51 = arith.constant 0 : i32
        %dma_start3A_52 = tpu.memref_slice %arg10[%mul3A_47, %dma_start3A_51] : memref<10240x128xf32, #tpu.memory_space<vmem_shared>> -> memref<640x128xf32, #tpu.memory_space<vmem_shared>>
        tpu.enqueue_dma source(%dma_start3A_52 : memref<640x128xf32, #tpu.memory_space<vmem_shared>>) target(%dma_start3A_50 : memref<640x128xf32, #tpu.memory_space<hbm>>) target_semaphore(%run_scoped3A : memref<!tpu.dma_semaphore, #tpu.memory_space<semaphore_mem>>)
        %dma_wait3A = arith.constant 0 : i32
        %dma_wait3A_53 = tpu.memref_slice %arg6[%mul3A_49, %dma_wait3A] : memref<10240x128xf32, #tpu.memory_space<hbm>> -> memref<640x128xf32, #tpu.memory_space<hbm>>
        %dma_wait3A_54 = arith.constant 0 : i32
        %dma_wait3A_55 = tpu.memref_slice %arg10[%mul3A_47, %dma_wait3A_54] : memref<10240x128xf32, #tpu.memory_space<vmem_shared>> -> memref<640x128xf32, #tpu.memory_space<vmem_shared>>
        tpu.wait_dma2 semaphore(%run_scoped3A : memref<!tpu.dma_semaphore, #tpu.memory_space<semaphore_mem>>) src(%dma_wait3A_55 : memref<640x128xf32, #tpu.memory_space<vmem_shared>>) dst(%dma_wait3A_53 : memref<640x128xf32, #tpu.memory_space<hbm>>)
        tpu.yield
      }) : () -> ()
    } else {
    }
    return
  }
}

module attributes {stable_mosaic.version = 14 : i64} {
  func.func @_tc_a_body(%arg0: i32, %arg1: memref<1000x128xf32, #tpu.memory_space<vmem>>, %arg2: memref<128x256xf32, #tpu.memory_space<vmem>>, %arg3: memref<1000x8xf32, #tpu.memory_space<vmem>>, %arg4: memref<1000x8xf32, #tpu.memory_space<vmem>>, %arg5: memref<1x256xf32, #tpu.memory_space<vmem>>, %arg6: memref<1000x128xf32, #tpu.memory_space<vmem>>, %arg7: memref<1000x256xf32, #tpu.memory_space<vmem>>) attributes {dimension_semantics = [#tpu.dimension_semantics<arbitrary>], iteration_bounds = array<i64: 10>, scalar_prefetch = 0 : i64, scratch_operands = 0 : i64, tpu.core_type = #tpu.core_type<tc>, window_params = [{transform_indices = @transform_0, window_bounds = array<i64: 1000, 128>}, {pipeline_mode = #tpu.pipeline_mode<synchronous>, transform_indices = @transform_1, window_bounds = array<i64: 128, 256>}, {transform_indices = @transform_2, window_bounds = array<i64: 1000, 8>}, {transform_indices = @transform_3, window_bounds = array<i64: 1000, 8>}, {pipeline_mode = #tpu.pipeline_mode<synchronous>, transform_indices = @transform_4, window_bounds = array<i64: 1, 256>}, {transform_indices = @transform_5, window_bounds = array<i64: 1000, 128>}, {transform_indices = @transform_6, window_bounds = array<i64: 1000, 256>}]} {
    %get3A = arith.constant 0 : index
    %get3A_0 = arith.constant 0 : index
    %get3A_1 = vector.load %arg3[%get3A, %get3A_0] : memref<1000x8xf32, #tpu.memory_space<vmem>>, vector<1000x1xf32>
    %get3A_2 = vector.shape_cast %get3A_1 : vector<1000x1xf32> to vector<1000xf32>
    %get3A_3 = arith.constant 0 : index
    %get3A_4 = arith.constant 0 : index
    %get3A_5 = vector.load %arg4[%get3A_3, %get3A_4] : memref<1000x8xf32, #tpu.memory_space<vmem>>, vector<1000x1xf32>
    %get3A_6 = vector.shape_cast %get3A_5 : vector<1000x1xf32> to vector<1000xf32>
    %add3A = arith.addf %get3A_2, %get3A_6 : vector<1000xf32>
    %add3A_7 = arith.constant 1.000000e+00 : f32
    %add3A_8 = vector.broadcast %add3A_7 : f32 to vector<1000xf32>
    %add3A_9 = arith.addf %add3A, %add3A_8 : vector<1000xf32>
    %rsqrt3A = math.rsqrt %add3A_9 : vector<1000xf32>
    %broadcast_in_dim3A = vector.shape_cast %rsqrt3A : vector<1000xf32> to vector<1000x1xf32>
    %get3A_10 = arith.constant 0 : index
    %get3A_11 = arith.constant 0 : index
    %get3A_12 = vector.load %arg1[%get3A_10, %get3A_11] : memref<1000x128xf32, #tpu.memory_space<vmem>>, vector<1000x128xf32>
    %mul3A = vector.broadcast %broadcast_in_dim3A : vector<1000x1xf32> to vector<1000x128xf32>
    %mul3A_13 = arith.mulf %get3A_12, %mul3A : vector<1000x128xf32>
    %swap3A = arith.constant 0 : index
    %swap3A_14 = arith.constant 0 : index
    %swap3A_15 = vector.load %arg6[%swap3A, %swap3A_14] : memref<1000x128xf32, #tpu.memory_space<vmem>>, vector<1000x128xf32>
    tpu.vector_store %arg6[%swap3A, %swap3A_14], %mul3A_13 {strides = array<i32>} : memref<1000x128xf32, #tpu.memory_space<vmem>>, vector<1000x128xf32>,
    %get3A_16 = arith.constant 0 : index
    %get3A_17 = arith.constant 0 : index
    %get3A_18 = vector.load %arg1[%get3A_16, %get3A_17] : memref<1000x128xf32, #tpu.memory_space<vmem>>, vector<1000x128xf32>
    %get3A_19 = arith.constant 0 : index
    %get3A_20 = arith.constant 0 : index
    %get3A_21 = vector.load %arg2[%get3A_19, %get3A_20] : memref<128x256xf32, #tpu.memory_space<vmem>>, vector<128x256xf32>
    %dot_general3A = arith.constant dense<0.000000e+00> : vector<1000x256xf32>
    %dot_general3A_22 = tpu.matmul %get3A_18, %get3A_21, %dot_general3A {dimension_numbers = #tpu.dot_dimension_numbers<[1], [0], [0], [1], [0, 0, 1, 1], [], []>, transpose_lhs_hint = false} : vector<1000x128xf32>, vector<128x256xf32>, vector<1000x256xf32> -> vector<1000x256xf32>
    %mul3A_23 = arith.mulf %broadcast_in_dim3A, %broadcast_in_dim3A : vector<1000x1xf32>
    %mul3A_24 = vector.broadcast %mul3A_23 : vector<1000x1xf32> to vector<1000x256xf32>
    %mul3A_25 = arith.mulf %dot_general3A_22, %mul3A_24 : vector<1000x256xf32>
    %get3A_26 = arith.constant 0 : index
    %get3A_27 = arith.constant 0 : index
    %get3A_28 = vector.load %arg5[%get3A_26, %get3A_27] : memref<1x256xf32, #tpu.memory_space<vmem>>, vector<1x256xf32>
    %add3A_29 = vector.broadcast %get3A_28 : vector<1x256xf32> to vector<1000x256xf32>
    %add3A_30 = arith.addf %mul3A_25, %add3A_29 : vector<1000x256xf32>
    %swap3A_31 = arith.constant 0 : index
    %swap3A_32 = arith.constant 0 : index
    %swap3A_33 = vector.load %arg7[%swap3A_31, %swap3A_32] : memref<1000x256xf32, #tpu.memory_space<vmem>>, vector<1000x256xf32>
    tpu.vector_store %arg7[%swap3A_31, %swap3A_32], %add3A_30 {strides = array<i32>} : memref<1000x256xf32, #tpu.memory_space<vmem>>, vector<1000x256xf32>,
    return
  }
  func.func @transform_0(%arg0: i32) -> (i32, i32) {
    %c0_i32 = arith.constant 0 : i32
    %c0_i32_0 = arith.constant 0 : i32
    return %arg0, %c0_i32 : i32, i32
  }
  func.func @transform_1(%arg0: i32) -> (i32, i32) {
    %c0_i32 = arith.constant 0 : i32
    %c0_i32_0 = arith.constant 0 : i32
    %c0_i32_1 = arith.constant 0 : i32
    return %c0_i32, %c0_i32_0 : i32, i32
  }
  func.func @transform_2(%arg0: i32) -> (i32, i32) {
    %c0_i32 = arith.constant 0 : i32
    %c0_i32_0 = arith.constant 0 : i32
    return %arg0, %c0_i32 : i32, i32
  }
  func.func @transform_3(%arg0: i32) -> (i32, i32) {
    %c0_i32 = arith.constant 0 : i32
    %c0_i32_0 = arith.constant 0 : i32
    return %arg0, %c0_i32 : i32, i32
  }
  func.func @transform_4(%arg0: i32) -> (i32, i32) {
    %c0_i32 = arith.constant 0 : i32
    %c0_i32_0 = arith.constant 0 : i32
    %c0_i32_1 = arith.constant 0 : i32
    return %c0_i32, %c0_i32_0 : i32, i32
  }
  func.func @transform_5(%arg0: i32) -> (i32, i32) {
    %c0_i32 = arith.constant 0 : i32
    %c0_i32_0 = arith.constant 0 : i32
    return %arg0, %c0_i32 : i32, i32
  }
  func.func @transform_6(%arg0: i32) -> (i32, i32) {
    %c0_i32 = arith.constant 0 : i32
    %c0_i32_0 = arith.constant 0 : i32
    return %arg0, %c0_i32 : i32, i32
  }
}

module attributes {stable_mosaic.version = 14 : i64} {
  func.func @_tc_b_body(%arg0: i32, %arg1: memref<1000x128xf32, #tpu.memory_space<vmem>>, %arg2: memref<1000x128xf32, #tpu.memory_space<vmem>>, %arg3: memref<1000x256xf32, #tpu.memory_space<vmem>>, %arg4: memref<1000x8xf32, #tpu.memory_space<vmem>>, %arg5: memref<1000x8xf32, #tpu.memory_space<vmem>>, %arg6: memref<128x256xf32, #tpu.memory_space<vmem>>, %arg7: memref<256x128xf32, #tpu.memory_space<vmem>>, %arg8: memref<1x128xf32, #tpu.memory_space<vmem>>, %arg9: memref<1000x128xf32, #tpu.memory_space<vmem>>, %arg10: memref<1000x128xf32, #tpu.memory_space<vmem>>) attributes {dimension_semantics = [#tpu.dimension_semantics<arbitrary>], iteration_bounds = array<i64: 10>, scalar_prefetch = 0 : i64, scratch_operands = 0 : i64, tpu.core_type = #tpu.core_type<tc>, window_params = [{transform_indices = @transform_0, window_bounds = array<i64: 1000, 128>}, {transform_indices = @transform_1, window_bounds = array<i64: 1000, 128>}, {transform_indices = @transform_2, window_bounds = array<i64: 1000, 256>}, {transform_indices = @transform_3, window_bounds = array<i64: 1000, 8>}, {transform_indices = @transform_4, window_bounds = array<i64: 1000, 8>}, {pipeline_mode = #tpu.pipeline_mode<synchronous>, transform_indices = @transform_5, window_bounds = array<i64: 128, 256>}, {pipeline_mode = #tpu.pipeline_mode<synchronous>, transform_indices = @transform_6, window_bounds = array<i64: 256, 128>}, {pipeline_mode = #tpu.pipeline_mode<synchronous>, transform_indices = @transform_7, window_bounds = array<i64: 1, 128>}, {transform_indices = @transform_8, window_bounds = array<i64: 1000, 128>}, {transform_indices = @transform_9, window_bounds = array<i64: 1000, 128>}]} {
    %get3A = arith.constant 0 : index
    %get3A_0 = arith.constant 0 : index
    %get3A_1 = vector.load %arg4[%get3A, %get3A_0] : memref<1000x8xf32, #tpu.memory_space<vmem>>, vector<1000x1xf32>
    %get3A_2 = vector.shape_cast %get3A_1 : vector<1000x1xf32> to vector<1000xf32>
    %get3A_3 = arith.constant 0 : index
    %get3A_4 = arith.constant 0 : index
    %get3A_5 = vector.load %arg5[%get3A_3, %get3A_4] : memref<1000x8xf32, #tpu.memory_space<vmem>>, vector<1000x1xf32>
    %get3A_6 = vector.shape_cast %get3A_5 : vector<1000x1xf32> to vector<1000xf32>
    %add3A = arith.addf %get3A_2, %get3A_6 : vector<1000xf32>
    %add3A_7 = arith.constant 1.000000e+00 : f32
    %add3A_8 = vector.broadcast %add3A_7 : f32 to vector<1000xf32>
    %add3A_9 = arith.addf %add3A, %add3A_8 : vector<1000xf32>
    %rsqrt3A = math.rsqrt %add3A_9 : vector<1000xf32>
    %broadcast_in_dim3A = vector.shape_cast %rsqrt3A : vector<1000xf32> to vector<1000x1xf32>
    %get3A_10 = arith.constant 0 : index
    %get3A_11 = arith.constant 0 : index
    %get3A_12 = vector.load %arg1[%get3A_10, %get3A_11] : memref<1000x128xf32, #tpu.memory_space<vmem>>, vector<1000x128xf32>
    %get3A_13 = arith.constant 0 : index
    %get3A_14 = arith.constant 0 : index
    %get3A_15 = vector.load %arg2[%get3A_13, %get3A_14] : memref<1000x128xf32, #tpu.memory_space<vmem>>, vector<1000x128xf32>
    %add3A_16 = arith.addf %get3A_12, %get3A_15 : vector<1000x128xf32>
    %get3A_17 = arith.constant 0 : index
    %get3A_18 = arith.constant 0 : index
    %get3A_19 = vector.load %arg6[%get3A_17, %get3A_18] : memref<128x256xf32, #tpu.memory_space<vmem>>, vector<128x256xf32>
    %dot_general3A = arith.constant dense<0.000000e+00> : vector<1000x256xf32>
    %dot_general3A_20 = tpu.matmul %add3A_16, %get3A_19, %dot_general3A {dimension_numbers = #tpu.dot_dimension_numbers<[1], [0], [0], [1], [0, 0, 1, 1], [], []>, transpose_lhs_hint = false} : vector<1000x128xf32>, vector<128x256xf32>, vector<1000x256xf32> -> vector<1000x256xf32>
    %mul3A = vector.broadcast %broadcast_in_dim3A : vector<1000x1xf32> to vector<1000x256xf32>
    %mul3A_21 = arith.mulf %dot_general3A_20, %mul3A : vector<1000x256xf32>
    %get3A_22 = arith.constant 0 : index
    %get3A_23 = arith.constant 0 : index
    %get3A_24 = vector.load %arg3[%get3A_22, %get3A_23] : memref<1000x256xf32, #tpu.memory_space<vmem>>, vector<1000x256xf32>
    %add3A_25 = arith.addf %mul3A_21, %get3A_24 : vector<1000x256xf32>
    %max3A = arith.constant 0.000000e+00 : f32
    %max3A_26 = vector.broadcast %max3A : f32 to vector<1000x256xf32>
    %max3A_27 = arith.maximumf %add3A_25, %max3A_26 : vector<1000x256xf32>
    %get3A_28 = arith.constant 0 : index
    %get3A_29 = arith.constant 0 : index
    %get3A_30 = vector.load %arg7[%get3A_28, %get3A_29] : memref<256x128xf32, #tpu.memory_space<vmem>>, vector<256x128xf32>
    %dot_general3A_31 = arith.constant dense<0.000000e+00> : vector<1000x128xf32>
    %dot_general3A_32 = tpu.matmul %max3A_27, %get3A_30, %dot_general3A_31 {dimension_numbers = #tpu.dot_dimension_numbers<[1], [0], [0], [1], [0, 0, 1, 1], [], []>, transpose_lhs_hint = false} : vector<1000x256xf32>, vector<256x128xf32>, vector<1000x128xf32> -> vector<1000x128xf32>
    %mul3A_33 = vector.broadcast %broadcast_in_dim3A : vector<1000x1xf32> to vector<1000x128xf32>
    %mul3A_34 = arith.mulf %dot_general3A_32, %mul3A_33 : vector<1000x128xf32>
    %swap3A = arith.constant 0 : index
    %swap3A_35 = arith.constant 0 : index
    %swap3A_36 = vector.load %arg9[%swap3A, %swap3A_35] : memref<1000x128xf32, #tpu.memory_space<vmem>>, vector<1000x128xf32>
    tpu.vector_store %arg9[%swap3A, %swap3A_35], %mul3A_34 {strides = array<i32>} : memref<1000x128xf32, #tpu.memory_space<vmem>>, vector<1000x128xf32>,
    %mul3A_37 = vector.broadcast %broadcast_in_dim3A : vector<1000x1xf32> to vector<1000x128xf32>
    %mul3A_38 = arith.mulf %mul3A_34, %mul3A_37 : vector<1000x128xf32>
    %get3A_39 = arith.constant 0 : index
    %get3A_40 = arith.constant 0 : index
    %get3A_41 = vector.load %arg8[%get3A_39, %get3A_40] : memref<1x128xf32, #tpu.memory_space<vmem>>, vector<1x128xf32>
    %add3A_42 = vector.broadcast %get3A_41 : vector<1x128xf32> to vector<1000x128xf32>
    %add3A_43 = arith.addf %mul3A_38, %add3A_42 : vector<1000x128xf32>
    %swap3A_44 = arith.constant 0 : index
    %swap3A_45 = arith.constant 0 : index
    %swap3A_46 = vector.load %arg10[%swap3A_44, %swap3A_45] : memref<1000x128xf32, #tpu.memory_space<vmem>>, vector<1000x128xf32>
    tpu.vector_store %arg10[%swap3A_44, %swap3A_45], %add3A_43 {strides = array<i32>} : memref<1000x128xf32, #tpu.memory_space<vmem>>, vector<1000x128xf32>,
    return
  }
  func.func @transform_0(%arg0: i32) -> (i32, i32) {
    %c0_i32 = arith.constant 0 : i32
    %c0_i32_0 = arith.constant 0 : i32
    return %arg0, %c0_i32 : i32, i32
  }
  func.func @transform_1(%arg0: i32) -> (i32, i32) {
    %c0_i32 = arith.constant 0 : i32
    %c0_i32_0 = arith.constant 0 : i32
    return %arg0, %c0_i32 : i32, i32
  }
  func.func @transform_2(%arg0: i32) -> (i32, i32) {
    %c0_i32 = arith.constant 0 : i32
    %c0_i32_0 = arith.constant 0 : i32
    return %arg0, %c0_i32 : i32, i32
  }
  func.func @transform_3(%arg0: i32) -> (i32, i32) {
    %c0_i32 = arith.constant 0 : i32
    %c0_i32_0 = arith.constant 0 : i32
    return %arg0, %c0_i32 : i32, i32
  }
  func.func @transform_4(%arg0: i32) -> (i32, i32) {
    %c0_i32 = arith.constant 0 : i32
    %c0_i32_0 = arith.constant 0 : i32
    return %arg0, %c0_i32 : i32, i32
  }
  func.func @transform_5(%arg0: i32) -> (i32, i32) {
    %c0_i32 = arith.constant 0 : i32
    %c0_i32_0 = arith.constant 0 : i32
    %c0_i32_1 = arith.constant 0 : i32
    return %c0_i32, %c0_i32_0 : i32, i32
  }
  func.func @transform_6(%arg0: i32) -> (i32, i32) {
    %c0_i32 = arith.constant 0 : i32
    %c0_i32_0 = arith.constant 0 : i32
    %c0_i32_1 = arith.constant 0 : i32
    return %c0_i32, %c0_i32_0 : i32, i32
  }
  func.func @transform_7(%arg0: i32) -> (i32, i32) {
    %c0_i32 = arith.constant 0 : i32
    %c0_i32_0 = arith.constant 0 : i32
    %c0_i32_1 = arith.constant 0 : i32
    return %c0_i32, %c0_i32_0 : i32, i32
  }
  func.func @transform_8(%arg0: i32) -> (i32, i32) {
    %c0_i32 = arith.constant 0 : i32
    %c0_i32_0 = arith.constant 0 : i32
    return %arg0, %c0_i32 : i32, i32
  }
  func.func @transform_9(%arg0: i32) -> (i32, i32) {
    %c0_i32 = arith.constant 0 : i32
    %c0_i32_0 = arith.constant 0 : i32
    return %arg0, %c0_i32 : i32, i32
  }
}

module attributes {stable_mosaic.version = 14 : i64} {
  func.func @_tc_c_body(%arg0: i32, %arg1: memref<1000x128xf32, #tpu.memory_space<vmem>>, %arg2: memref<1000x128xf32, #tpu.memory_space<vmem>>, %arg3: memref<1000x128xf32, #tpu.memory_space<vmem>>, %arg4: memref<1000x8xf32, #tpu.memory_space<vmem>>, %arg5: memref<1000x8xf32, #tpu.memory_space<vmem>>, %arg6: memref<1000x128xf32, #tpu.memory_space<vmem>>) attributes {dimension_semantics = [#tpu.dimension_semantics<arbitrary>], iteration_bounds = array<i64: 10>, scalar_prefetch = 0 : i64, scratch_operands = 0 : i64, tpu.core_type = #tpu.core_type<tc>, window_params = [{transform_indices = @transform_0, window_bounds = array<i64: 1000, 128>}, {transform_indices = @transform_1, window_bounds = array<i64: 1000, 128>}, {transform_indices = @transform_2, window_bounds = array<i64: 1000, 128>}, {transform_indices = @transform_3, window_bounds = array<i64: 1000, 8>}, {transform_indices = @transform_4, window_bounds = array<i64: 1000, 8>}, {transform_indices = @transform_5, window_bounds = array<i64: 1000, 128>}]} {
    %get3A = arith.constant 0 : index
    %get3A_0 = arith.constant 0 : index
    %get3A_1 = vector.load %arg4[%get3A, %get3A_0] : memref<1000x8xf32, #tpu.memory_space<vmem>>, vector<1000x1xf32>
    %get3A_2 = vector.shape_cast %get3A_1 : vector<1000x1xf32> to vector<1000xf32>
    %get3A_3 = arith.constant 0 : index
    %get3A_4 = arith.constant 0 : index
    %get3A_5 = vector.load %arg5[%get3A_3, %get3A_4] : memref<1000x8xf32, #tpu.memory_space<vmem>>, vector<1000x1xf32>
    %get3A_6 = vector.shape_cast %get3A_5 : vector<1000x1xf32> to vector<1000xf32>
    %add3A = arith.addf %get3A_2, %get3A_6 : vector<1000xf32>
    %add3A_7 = arith.constant 1.000000e+00 : f32
    %add3A_8 = vector.broadcast %add3A_7 : f32 to vector<1000xf32>
    %add3A_9 = arith.addf %add3A, %add3A_8 : vector<1000xf32>
    %rsqrt3A = math.rsqrt %add3A_9 : vector<1000xf32>
    %broadcast_in_dim3A = vector.shape_cast %rsqrt3A : vector<1000xf32> to vector<1000x1xf32>
    %get3A_10 = arith.constant 0 : index
    %get3A_11 = arith.constant 0 : index
    %get3A_12 = vector.load %arg1[%get3A_10, %get3A_11] : memref<1000x128xf32, #tpu.memory_space<vmem>>, vector<1000x128xf32>
    %get3A_13 = arith.constant 0 : index
    %get3A_14 = arith.constant 0 : index
    %get3A_15 = vector.load %arg2[%get3A_13, %get3A_14] : memref<1000x128xf32, #tpu.memory_space<vmem>>, vector<1000x128xf32>
    %add3A_16 = arith.addf %get3A_12, %get3A_15 : vector<1000x128xf32>
    %mul3A = vector.broadcast %broadcast_in_dim3A : vector<1000x1xf32> to vector<1000x128xf32>
    %mul3A_17 = arith.mulf %add3A_16, %mul3A : vector<1000x128xf32>
    %get3A_18 = arith.constant 0 : index
    %get3A_19 = arith.constant 0 : index
    %get3A_20 = vector.load %arg3[%get3A_18, %get3A_19] : memref<1000x128xf32, #tpu.memory_space<vmem>>, vector<1000x128xf32>
    %add3A_21 = arith.addf %mul3A_17, %get3A_20 : vector<1000x128xf32>
    %swap3A = arith.constant 0 : index
    %swap3A_22 = arith.constant 0 : index
    %swap3A_23 = vector.load %arg6[%swap3A, %swap3A_22] : memref<1000x128xf32, #tpu.memory_space<vmem>>, vector<1000x128xf32>
    tpu.vector_store %arg6[%swap3A, %swap3A_22], %add3A_21 {strides = array<i32>} : memref<1000x128xf32, #tpu.memory_space<vmem>>, vector<1000x128xf32>,
    return
  }
  func.func @transform_0(%arg0: i32) -> (i32, i32) {
    %c0_i32 = arith.constant 0 : i32
    %c0_i32_0 = arith.constant 0 : i32
    return %arg0, %c0_i32 : i32, i32
  }
  func.func @transform_1(%arg0: i32) -> (i32, i32) {
    %c0_i32 = arith.constant 0 : i32
    %c0_i32_0 = arith.constant 0 : i32
    return %arg0, %c0_i32 : i32, i32
  }
  func.func @transform_2(%arg0: i32) -> (i32, i32) {
    %c0_i32 = arith.constant 0 : i32
    %c0_i32_0 = arith.constant 0 : i32
    return %arg0, %c0_i32 : i32, i32
  }
  func.func @transform_3(%arg0: i32) -> (i32, i32) {
    %c0_i32 = arith.constant 0 : i32
    %c0_i32_0 = arith.constant 0 : i32
    return %arg0, %c0_i32 : i32, i32
  }
  func.func @transform_4(%arg0: i32) -> (i32, i32) {
    %c0_i32 = arith.constant 0 : i32
    %c0_i32_0 = arith.constant 0 : i32
    return %arg0, %c0_i32 : i32, i32
  }
  func.func @transform_5(%arg0: i32) -> (i32, i32) {
    %c0_i32 = arith.constant 0 : i32
    %c0_i32_0 = arith.constant 0 : i32
    return %arg0, %c0_i32 : i32, i32
  }
}

</mosaic_0001>

<sc_bundles>
// kernel: kernel.11.cloned.1.call-start
scs
__scs_entry_jumppad:
0x0: {  	(pc) =	sbr.rel $0x88, $3  }
0x1: {  	(tag) =	ssettag $0x0;
	lr =	simm.s32 $0x1  }
0x2: {  	[smem:$0x3F9B] =	sst lr;
	_ =	strace $0xD0000000  }
0x3: {  	_ = 	snop  }
0x4: {  	_ = 	snop  }
0x5: {  	_ = 	snop  }
0x6: {  	_ = 	snop  }
0x7: {  	_ = 	snop  }
__scs_overlays_trampoline_lowered:
0x8: {  	[smem:$0x3FAA] =	sst s0  }
0x9: {  	[smem:$0x3FAB] =	sst s1  }
0xa: {  	[smem:$0x3FAC] =	sst s2  }
0xb: {  	[smem:$0x3FAD] =	sst s3  }
0xc: {  	[smem:$0x3FAE] =	sst s4  }
0xd: {  	[smem:$0x3FAF] =	sst s5  }
0xe: {  	[smem:$0x3FB0] =	sst s6  }
0xf: {  	[smem:$0x3FB1] =	sst s7  }
0x10: {  	[smem:$0x3FB2] =	sst s8  }
0x11: {  	[smem:$0x3FB3] =	sst s9;
	s0 =	simm.s32 @!p0 $0x0  }
0x12: {  	s1 =	sld [smem:$0x3F99];
	s0 =	simm.s32 @p0 $0x1  }
0x13: {  	[smem:$0x3FB4] =	sst s0;
	s0 =	simm.s32 @!p1 $0x0  }
0x14: {  	s2 =	sld [smem:$0x3F98];
	s0 =	simm.s32 @p1 $0x1  }
0x15: {  	[smem:$0x3FB5] =	sst s0;
	s0 =	simm.s32 @!p2 $0x0  }
0x16: {  	s3 =	sld [smem:$0x3FDB];
	s0 =	simm.s32 @p2 $0x1  }
0x17: {  	s4 =	simm.s32 $0x1BF5;
	[smem:$0x3FB7] =	sst s0  }
0x18: {  	s0 =	sld [smem:$0x3F9A];
	_ =	swait.ge [sflag:s4], $0x0  }
0x19: {  	s7 =	sld [smem:$0x3F9B]  }
0x1a: {  	s8 =	sadd.s32 $0xFFFFE003, lr  }
0x1b: {  	s9 =	sadd.s32 $0xFFFFFEF7, lr;
	s5 =	simm.s32 $0xFFFFFFFF;
	p2 =	slt.u32 s8, $0xFFFFF086  }
0x1c: {  	p1 =	slt.u32 s9, $0xF7A;
	s5 =	simm.s32 @!p2 $0x0  }
0x1d: {  	s5 =	simm.s32 @p1 $0x1;
	p0 =	seq.s32 s7, s2  }
0x1e: {  	s7 =	smul.u32 @!p0 $0xF7A, s2;
	p2 =	seq.s32 @!p0 s5, $0x0  }
0x1f: {  	s9 =	smul.u32 $0xF7A, s1;
	s8 =	simm.s32 @!p0 $0x1BF5;
	p2 =	por !p2, p0  }
0x20: {  	[sflag:s8] =	ssyncset.s32 @!p0 $0xFFFFF086;
	s6 =	sadd.s32 @!p0 s3, s7;
	s7 =	simm.s32 @!p0 $0x108  }
0x21: {  	s3 =	sadd.s32 s3, s9;
	s6 =	sadd.s32 @!p0 $0x88, s6;
	s7 =	simm.s32 @p2 $0x1082  }
0x22: {  	[simem:s7], [sflag:s8] =	dma.local @!p0 [hbm:s6], $0xF7A  }
0x23: {  	s9 =	sor.u32 $0xD0000000, s2;
	s6 =	simm.s32 $0x108;
	_ =	swait.ge @!p0 [sflag:s8], $0x0  }
0x24: {  	s3 =	sadd.s32 $0x88, s3;
	s6 =	simm.s32 @!p1 $0x1082;
	[sflag:s4] =	ssyncset.s32 $0xFFFFF086  }
0x25: {  	[simem:s6], [sflag:s4] =	dma.local [hbm:s3], $0xF7A  }
0x26: {  	[smem:$0x3F9B] =	sst s1;
	(tag) =	ssettag s2;
	_ =	strace s9  }
0x27: {  	s1 =	sld [smem:$0x3FAB]  }
0x28: {  	s2 =	sld [smem:$0x3FAC]  }
0x29: {  	s4 =	sld [smem:$0x3FAE]  }
0x2a: {  	p0 =	seq.s32 s5, $0x0;
	s5 =	sld [smem:$0x3FAF]  }
0x2b: {  	s6 =	sld [smem:$0x3FB0]  }
0x2c: {  	s7 =	sld [smem:$0x3FB1]  }
0x2d: {  	s3 =	simm.s32 $0x108;
	s8 =	sld [smem:$0x3FB2]  }
0x2e: {  	s3 =	simm.s32 @!p0 $0x1082;
	s9 =	sld [smem:$0x3FB3]  }
0x2f: {  	lr =	sadd.s32 s0, s3;
	s0 =	sld [smem:$0x3FAA]  }
0x30: {  	s3 =	sld [smem:$0x3FAD]  }
0x31: {  	[smem:$0x3FB6] =	sst s10  }
0x32: {  	s10 =	sld [smem:$0x3FB4];
	_ =	sdelay $0x3  }
0x33: {  	p0 =	seq.s32 s10, $0x1;
	s10 =	sld [smem:$0x3FB6];
	_ =	sdelay $0x3  }
0x34: {  	[smem:$0x3FB6] =	sst s10  }
0x35: {  	s10 =	sld [smem:$0x3FB5];
	_ =	sdelay $0x3  }
0x36: {  	p1 =	seq.s32 s10, $0x1;
	s10 =	sld [smem:$0x3FB6];
	_ =	sdelay $0x3  }
0x37: {  	[smem:$0x3FB6] =	sst s10  }
0x38: {  	s10 =	sld [smem:$0x3FB7]  }
0x39: {  	_ = 	snop;
	(pc) =	sbr.ind lr, $3  }
0x3a: {  	_ = 	snop  }
0x3b: {  	_ = 	snop  }
0x3c: {  	p2 =	seq.s32 s10, $0x1;
	s10 =	sld [smem:$0x3FB6]  }
0x3d: {  	_ =	shalt  }
0x3e: {  	_ =	shalt  }
0x3f: {  	_ =	shalt  }
0x40: {  	_ =	shalt  }
0x41: {  	_ =	shalt  }
0x42: {  	_ =	shalt  }
0x43: {  	_ =	shalt  }
0x44: {  	_ =	shalt  }
0x45: {  	_ =	shalt  }
0x46: {  	_ =	shalt  }
0x47: {  	_ =	shalt  }
0x48: {  	_ =	shalt  }
0x49: {  	_ =	shalt  }
0x4a: {  	_ =	shalt  }
0x4b: {  	_ =	shalt  }
0x4c: {  	_ =	shalt  }
0x4d: {  	_ =	shalt  }
0x4e: {  	_ =	shalt  }
0x4f: {  	_ =	shalt  }
0x50: {  	_ =	shalt  }
0x51: {  	_ =	shalt  }
0x52: {  	_ =	shalt  }
0x53: {  	_ =	shalt  }
0x54: {  	_ =	shalt  }
0x55: {  	_ =	shalt  }
0x56: {  	_ =	shalt  }
0x57: {  	_ =	shalt  }
0x58: {  	_ =	shalt  }
0x59: {  	_ =	shalt  }
0x5a: {  	_ =	shalt  }
0x5b: {  	_ =	shalt  }
0x5c: {  	_ =	shalt  }
0x5d: {  	_ =	shalt  }
0x5e: {  	_ =	shalt  }
0x5f: {  	_ =	shalt  }
0x60: {  	_ =	shalt  }
0x61: {  	_ =	shalt  }
0x62: {  	_ =	shalt  }
0x63: {  	_ =	shalt  }
0x64: {  	_ =	shalt  }
0x65: {  	_ =	shalt  }
0x66: {  	_ =	shalt  }
0x67: {  	_ =	shalt  }
0x68: {  	_ =	shalt  }
0x69: {  	_ =	shalt  }
0x6a: {  	_ =	shalt  }
0x6b: {  	_ =	shalt  }
0x6c: {  	_ =	shalt  }
0x6d: {  	_ =	shalt  }
0x6e: {  	_ =	shalt  }
0x6f: {  	_ =	shalt  }
0x70: {  	_ =	shalt  }
0x71: {  	_ =	shalt  }
0x72: {  	_ =	shalt  }
0x73: {  	_ =	shalt  }
0x74: {  	_ =	shalt  }
0x75: {  	_ =	shalt  }
0x76: {  	_ =	shalt  }
0x77: {  	_ =	shalt  }
0x78: {  	_ =	shalt  }
0x79: {  	_ =	shalt  }
0x7a: {  	_ =	shalt  }
0x7b: {  	_ =	shalt  }
0x7c: {  	_ =	shalt  }
0x7d: {  	_ =	shalt  }
0x7e: {  	_ =	shalt  }
0x7f: {  	_ =	shalt  }
0x80: {  	_ =	shalt  }
0x81: {  	_ =	shalt  }
0x82: {  	_ =	shalt  }
0x83: {  	_ =	shalt  }
0x84: {  	_ =	shalt  }
0x85: {  	_ =	shalt  }
0x86: {  	_ =	shalt  }
0x87: {  	_ =	shalt  }
.Lfunc_end0:
.L_simem_size_0:
called_computation.1_lowered:
.L_overlay_start_0:
0x88: {  	s2 =	sld [smem:$0x3FD9]  }
0x89: {  	s3 =	sld [smem:$0x3FFE];
	_ =	sdelay $0x1  }
0x8a: {  	s1 =	srdreg.scid  }
0x8b: {  	s0 =	sand.u32 $0x1, s1  }
0x8c: {  	s17 =	sshll.u32 s0, $0xA;
	s2 =	sadd.s32 s3, s2  }
0x8d: {  	s2 =	sadd.s32 s2, s17  }
0x8e: {  	[smem:$0x3FC2] =	sst s2  }
0x8f: {  	_ = 	snop  }
0x90: {  	s2 =	sld [smem:$0x3FD0];
	(tm) =	ssettm $0x1  }
0x91: {  	s18 =	sld [smem:$0x3FFB];
	_ =	sdelay $0x3  }
0x92: {  	_ =	strace s18  }
0x93: {  	s3 =	sld [smem:$0x3FFC];
	_ =	sdelay $0x3  }
0x94: {  	_ =	strace s3  }
0x95: {  	s3 =	sld [smem:$0x3FFD];
	_ =	sdelay $0x3  }
0x96: {  	_ =	strace s3  }
0x97: {  	_ =	strace $0x8FFFFFFF  }
0x98: {  	s19 =	sld [smem:$0x3FDB];
	_ =	sdelay $0x1  }
0x99: {  	s4 =	simm.s32 $_scs_section_size  }
0x9a: {  	s5 =	simm.s32 $_size__tile_overlayer_lowered;
	s6 =	simm.s32 $_tile_overlayer_lowered  }
0x9b: {  	s22 =	simm.s32 $0x1BFF;
	s21 =	sshll.u32 s6, $0x1;
	s3 =	sadd.s32 s4, s19  }
0x9c: {  	s7 =	simm.s32 $0x0;
	s20 =	sshll.u32 s5, $0x1;
	s5 =	sadd.s32 s21, s3  }
0x9d: {  	[timem:s7], [sflag:s22] =	dma.local [hbm:s5], s20  }
0x9e: {  	_ =	swait.ge [sflag:s22], s20  }
0x9f: {  	s4 =	ssub.s32 $0x0, s20;
	[sflag:s22] =	ssyncset.done $0x0  }
0xa0: {  	[sflag:s22] =	ssyncadd.s32 s4;
	_ =	sdelay $0x1  }
0xa1: {  	s23 =	simm.s32 $0x1B8B  }
0xa2: {  	_ =	swait.ge [sflag:s23], $0x1  }
0xa3: {  	[sflag:s23] =	ssyncset.done $0x0  }
0xa4: {  	s25 =	simm.s32 $0x1B8E;
	s24 =	sld [smem:$0x3FFE];
	[sflag:s23] =	ssyncadd.s32 $0xFFFFFFFF  }
0xa5: {  	s26 =	simm.s32 $execute0_lowered;
	[smem:$0x3FD2] =	sst s25  }
0xa6: {  	s5 =	sshll.u32 s26, $0x1;
	_ =	strace $0x80000049;
	[dreg:$0x1] =	wrdreg $0xFFFFFFFF  }
0xa7: {  	s28 =	simm.s32 $_size_execute0_lowered;
	s3 =	sadd.s32 s3, s5;
	[dreg:$0x0] =	wrdreg $0x0  }
0xa8: {  	s5 =	sshll.u32 s28, $0x1;
	[dreg:$0x2] =	wrdreg s3  }
0xa9: {  	[dreg:$0x3] =	wrdreg s5  }
0xaa: {  	[dreg:$0x4] =	wrdreg $0xC0  }
0xab: {  	_ =	task [dreg:s7], $0x5FFFF  }
0xac: {  	[dreg:$0x1] =	wrdreg $0xFFFFFFFF  }
0xad: {  	[dreg:$0x0] =	wrdreg $0x60  }
0xae: {  	[dreg:$0x2] =	wrdreg s2  }
0xaf: {  	[dreg:$0x3] =	wrdreg s24  }
0xb0: {  	[dreg:$0x4] =	wrdreg $0x90000  }
0xb1: {  	[dreg:$0x5] =	wrdreg $0x9  }
0xb2: {  	_ =	task.clear_ibuf [dreg:s7], $0x6FFFF;
	_ =	strace $0x90000049  }
0xb3: {  	s29 =	simm.s32 $0x9;
	_ =	strace $0x8000004B  }
0xb4: {  	_ =	swait.ge [sflag:s29], $0x1  }
0xb5: {  	[sflag:s29] =	ssyncadd.s32 $0xFFFFFFFF  }
0xb6: {  	_ =	strace $0x9000004B  }
0xb7: {  	_ =	sfence  }
0xb8: {  	s30 =	sld [smem:$0x0];
	_ =	sdelay $0x2  }
0xb9: {  	s31 =	sshll.u32 s1, $0xD;
	s1 =	sshrl.u32 s1, $0x2  }
0xba: {  	s3 =	sand.u32 $0x4000, s31;
	s1 =	sadd.s32 s1, s30  }
0xbb: {  	s0 =	sor.u32 s3, s0;
	s1 =	sshll.u32 s1, $0x11  }
0xbc: {  	s0 =	sor.u32 s1, s0  }
0xbd: {  	s0 =	sadd.s32 $0x8F2B, s0  }
0xbe: {  	[sflag:s0] =	ssyncadd.remote.s32 $0x1  }
0xbf: {  	_ =	sfence.sel $0xFFFF  }
0xc0: {  	[dreg:$0x0] =	wrdreg $0xFFFFFFFF;
	(pc) =	sbr.abs _section_cstart, $3  }
0xc1: {  	[dreg:$0x1] =	wrdreg $0xFFFFFFFF  }
0xc2: {  	_ =	task.clear_ibuf [dreg:s7], $0x2FFFF;
	_ =	strace $0x9FFFFFFF  }
0xc3: {  	(tm) =	ssettm $0x7FFFFFFF  }
tec
execute0_lowered:
.L_overlay_start_1:
0x0: {  	(tag) =	ssettag $0x1  }
0x1: {  	s1 =	rddreg [dreg:$0x0]  }
0x2: {  	s2 =	srdreg.scid;
	s19 =	rddreg [dreg:$0x1]  }
0x3: {  	s0 =	stileid.u32;
	s3 =	rddreg [dreg:$0x2];
	s22 =	simm.s32 $0x5000  }
0x4: {  	s23 =	simm.s32 $0x40;
	s24 =	simm.s32 $0x1;
	s25 =	simm.s32 $0x7000  }
0x5: {  	s28 =	simm.s32 $0x27C0;
	s29 =	simm.s32 $0x4F80;
	s30 =	simm.s32 $0x4FC0  }
0x6: {  	s2 =	sand.u32 $0x1, s2;
	s4 =	sshll.u32 s0, $0x1;
	s7 =	smul.u32 $0x50000, s0  }
0x7: {  	s31 =	simm.s32 $0x0;
	s20 =	smul.u32 $0x2800, s0;
	s5 =	sor.u32 s2, s4  }
0x8: {  	s4 =	simm.s32 $0x0;
	s6 =	ssub.s32 $0x2, s2;
	p0 =	seq.s32 s2, $0x1  }
0x9: {  	s2 =	simm.s32 $0xDE800;
	s5 =	smul.u32 $0x500, s5;
	[smem:$0x7FF] =	sst s4  }
0xa: {  	s9 =	sshrl.u32 s6, $0x1;
	s26 =	sshrl.u32 s7, $0x2;
	s2 =	simm.s32 @!p0 $0xB6800  }
0xb: {  	_ =	strace $0x8000004A;
	s18 =	ssub.s32 s6, s9;
	s2 =	sadd.s32 s2, s19  }
0xc: {  	s8 =	sadd.s32 s5, s19;
	s5 =	sadd.s32 $0x51E00, s19;
	s18 =	smax.u32 s18, $0x1  }
0xd: {  	s19 =	sadd.s32 s2, s20;
	s20 =	simm.s32 $0x3;
	s6 =	sadd.s32 $0x54600, s8  }
0xe: {  	s7 =	sadd.s32 $0x5E600, s8;
	s8 =	sadd.s32 s26, s3;
	s26 =	simm.s32 $0x2  }
0xf: {  	s9 =	sadd.s32 $0x2000, s8;
	s10 =	sadd.s32 $0x4000, s8;
	s11 =	sadd.s32 $0x6000, s8  }
0x10: {  	s12 =	sadd.s32 $0x8000, s8;
	s13 =	sadd.s32 $0xA000, s8;
	s14 =	sadd.s32 $0xC000, s8  }
0x11: {  	s15 =	sadd.s32 $0xE000, s8;
	s16 =	sadd.s32 $0x10000, s8;
	s17 =	sadd.s32 $0x12000, s8  }
.LBB2_1:
0x12: {  	[tilespmem:s4], [sflag:$0x3] =	stream.linear.gather [hbm4b:s6+s4], $0x2800, $0x38;
	[tilespmem:$0x1D000] =	vst v63  }
0x13: {  	_ =	swait.ge [sflag:s20], $0x2800  }
0x14: {  	[sflag:s20] =	ssyncset.done $0x0  }
0x15: {  	s0 =	simm.s32 $0x2800;
	[sflag:s20] =	ssyncadd.s32 $0xFFFFD800  }
0x16: {  	[tilespmem:s0], [sflag:$0x3] =	stream.linear.gather [hbm4b:s7+s4], $0x2800, $0x38;
	[tilespmem:$0x1D000] =	vst v63  }
0x17: {  	_ =	swait.ge [sflag:s20], $0x2800  }
0x18: {  	[sflag:s20] =	ssyncset.done $0x0  }
0x19: {  	[sflag:s20] =	ssyncadd.s32 $0xFFFFD800  }
0x1a: {  	[tilespmem:s22], [sflag:$0x3] =	stream.linear.gather [hbm4b:s5+s4], $0x2000, $0x38;
	[tilespmem:$0x1D000] =	vst v63  }
0x1b: {  	_ =	swait.ge [sflag:s20], $0x2000  }
0x1c: {  	[sflag:s20] =	ssyncset.done $0x0  }
0x1d: {  	[sflag:s20] =	ssyncadd.s32 $0xFFFFE000  }
0x1e: {  	[spmem:s8] =	stream.linear.scatter [tilespmem:s22], [sflag:$0x3], $0x2000, $0x38;
	[tilespmem:$0x1D000] =	vst v63  }
0x1f: {  	_ =	swait.ge [sflag:s20], $0x2000  }
0x20: {  	[sflag:s20] =	ssyncset.done $0x0  }
0x21: {  	[sflag:s20] =	ssyncadd.s32 $0xFFFFE000  }
0x22: {  	[spmem:s9] =	stream.linear.scatter [tilespmem:s22], [sflag:$0x3], $0x2000, $0x38;
	[tilespmem:$0x1D000] =	vst v63  }
0x23: {  	_ =	swait.ge [sflag:s20], $0x2000  }
0x24: {  	[sflag:s20] =	ssyncset.done $0x0  }
0x25: {  	[sflag:s20] =	ssyncadd.s32 $0xFFFFE000  }
0x26: {  	[spmem:s10] =	stream.linear.scatter [tilespmem:s22], [sflag:$0x3], $0x2000, $0x38;
	[tilespmem:$0x1D000] =	vst v63  }
0x27: {  	_ =	swait.ge [sflag:s20], $0x2000  }
0x28: {  	[sflag:s20] =	ssyncset.done $0x0  }
0x29: {  	[sflag:s20] =	ssyncadd.s32 $0xFFFFE000  }
0x2a: {  	[spmem:s11] =	stream.linear.scatter [tilespmem:s22], [sflag:$0x3], $0x2000, $0x38;
	[tilespmem:$0x1D000] =	vst v63  }
0x2b: {  	_ =	swait.ge [sflag:s20], $0x2000  }
0x2c: {  	[sflag:s20] =	ssyncset.done $0x0  }
0x2d: {  	[sflag:s20] =	ssyncadd.s32 $0xFFFFE000  }
0x2e: {  	[spmem:s12] =	stream.linear.scatter [tilespmem:s22], [sflag:$0x3], $0x2000, $0x38;
	[tilespmem:$0x1D000] =	vst v63  }
0x2f: {  	_ =	swait.ge [sflag:s20], $0x2000  }
0x30: {  	[sflag:s20] =	ssyncset.done $0x0  }
0x31: {  	[sflag:s20] =	ssyncadd.s32 $0xFFFFE000  }
0x32: {  	[spmem:s13] =	stream.linear.scatter [tilespmem:s22], [sflag:$0x3], $0x2000, $0x38;
	[tilespmem:$0x1D000] =	vst v63  }
0x33: {  	_ =	swait.ge [sflag:s20], $0x2000  }
0x34: {  	[sflag:s20] =	ssyncset.done $0x0  }
0x35: {  	[sflag:s20] =	ssyncadd.s32 $0xFFFFE000  }
0x36: {  	[spmem:s14] =	stream.linear.scatter [tilespmem:s22], [sflag:$0x3], $0x2000, $0x38;
	[tilespmem:$0x1D000] =	vst v63  }
0x37: {  	_ =	swait.ge [sflag:s20], $0x2000  }
0x38: {  	[sflag:s20] =	ssyncset.done $0x0  }
0x39: {  	[sflag:s20] =	ssyncadd.s32 $0xFFFFE000  }
0x3a: {  	[spmem:s15] =	stream.linear.scatter [tilespmem:s22], [sflag:$0x3], $0x2000, $0x38;
	[tilespmem:$0x1D000] =	vst v63  }
0x3b: {  	_ =	swait.ge [sflag:s20], $0x2000  }
0x3c: {  	[sflag:s20] =	ssyncset.done $0x0  }
0x3d: {  	[sflag:s20] =	ssyncadd.s32 $0xFFFFE000  }
0x3e: {  	[spmem:s16] =	stream.linear.scatter [tilespmem:s22], [sflag:$0x3], $0x2000, $0x38;
	[tilespmem:$0x1D000] =	vst v63  }
0x3f: {  	_ =	swait.ge [sflag:s20], $0x2000  }
0x40: {  	[sflag:s20] =	ssyncset.done $0x0  }
0x41: {  	[sflag:s20] =	ssyncadd.s32 $0xFFFFE000  }
0x42: {  	[spmem:s17] =	stream.linear.scatter [tilespmem:s22], [sflag:$0x3], $0x2000, $0x38;
	[tilespmem:$0x1D000] =	vst v63  }
0x43: {  	_ =	swait.ge [sflag:s20], $0x2000  }
0x44: {  	[sflag:s20] =	ssyncset.done $0x0  }
0x45: {  	[sflag:s20] =	ssyncadd.s32 $0xFFFFE000  }
0x46: {  	[bflag:$0x0] =	sbarrier.arrive $0xFFFF  }
0x47: {  	[tilespmem:s22], [sflag:$0x1] =	stream.indirect.gather [hbm4b:s1+s23], $0x80, s4, s23, $0xb8;
	[tilespmem:$0x1D000] =	vst v63  }
0x48: {  	_ =	swait.ge [sflag:s24], $0x2000  }
0x49: {  	[sflag:s24] =	ssyncset.done $0x0  }
0x4a: {  	s2 =	simm.s32 $0x40;
	[sflag:s24] =	ssyncadd.s32 $0xFFFFE000  }
0x4b: {  	[tilespmem:s25], [sflag:$0x2] =	stream.indirect.gather [hbm4b:s1+s23], $0x80, s2, s23, $0xb8;
	[tilespmem:$0x1D000] =	vst v63  }
0x4c: {  	s21 =	simm.s32 $0x2800  }
0x4d: {  	[spmem:s3] =	stream.indirect.scatter.add.f32 [tilespmem:s22], [sflag:$0x3], $0x80, s21, s23, $0xb8;
	[tilespmem:$0x1D000] =	vst v63  }
0x4e: {  	_ =	swait.ge [sflag:s20], $0x2000  }
0x4f: {  	[sflag:s20] =	ssyncset.done $0x0  }
0x50: {  	[sflag:s20] =	ssyncadd.s32 $0xFFFFE000  }
0x51: {  	_ =	swait.ge [sflag:s26], $0x2000  }
0x52: {  	[sflag:s26] =	ssyncset.done $0x0  }
0x53: {  	s0 =	simm.s32 $0x80;
	[sflag:s26] =	ssyncadd.s32 $0xFFFFE000  }
0x54: {  	[tilespmem:s22], [sflag:$0x1] =	stream.indirect.gather [hbm4b:s1+s23], $0x80, s0, s23, $0xb8;
	[tilespmem:$0x1D000] =	vst v63  }
0x55: {  	s21 =	simm.s32 $0x2840  }
0x56: {  	[spmem:s3] =	stream.indirect.scatter.add.f32 [tilespmem:s25], [sflag:$0x3], $0x80, s21, s23, $0xb8;
	[tilespmem:$0x1D000] =	vst v63  }
0x57: {  	_ =	swait.ge [sflag:s20], $0x2000  }
0x58: {  	s2 =	simm.s32 $0x200;
	[sflag:s20] =	ssyncset.done $0x0  }
.LBB2_2:
0x59: {  	p0 =	sne.s32 s2, $0x9C00  }
0x5a: {  	[sflag:s20] =	ssyncadd.s32 $0xFFFFE000;
	s0 =	smov.u32 s2;
	s2 =	sadd.s32 $0x200, s2  }
0x5b: {  	_ = 	snop  }
0x5c: {  	_ =	swait.ge [sflag:s24], $0x2000  }
0x5d: {  	s0 =	sshra.s32 s0, $0x2;
	[sflag:s24] =	ssyncset.done $0x0  }
0x5e: {  	s21 =	sadd.s32 $0x40, s0;
	[sflag:s24] =	ssyncadd.s32 $0xFFFFE000  }
0x5f: {  	[tilespmem:s25], [sflag:$0x2] =	stream.indirect.gather [hbm4b:s1+s23], $0x80, s21, s23, $0xb8;
	[tilespmem:$0x1D000] =	vst v63  }
0x60: {  	s21 =	sadd.s32 $0x2800, s0  }
0x61: {  	[spmem:s3] =	stream.indirect.scatter.add.f32 [tilespmem:s22], [sflag:$0x3], $0x80, s21, s23, $0xb8;
	[tilespmem:$0x1D000] =	vst v63  }
0x62: {  	_ =	swait.ge [sflag:s20], $0x2000  }
0x63: {  	[sflag:s20] =	ssyncset.done $0x0  }
0x64: {  	[sflag:s20] =	ssyncadd.s32 $0xFFFFE000  }
0x65: {  	_ =	swait.ge [sflag:s26], $0x2000  }
0x66: {  	[sflag:s26] =	ssyncset.done $0x0  }
0x67: {  	s21 =	sadd.s32 $0x80, s0;
	[sflag:s26] =	ssyncadd.s32 $0xFFFFE000  }
0x68: {  	[tilespmem:s22], [sflag:$0x1] =	stream.indirect.gather [hbm4b:s1+s23], $0x80, s21, s23, $0xb8;
	[tilespmem:$0x1D000] =	vst v63  }
.Ltmp0:
0x69: {  	_ = 	snop;
	(pc) =	sbr.rel @p0 .LBB2_2-.Ltmp0, $4  }
0x6a: {  	s0 =	sadd.s32 $0x2840, s0  }
0x6b: {  	[spmem:s3] =	stream.indirect.scatter.add.f32 [tilespmem:s25], [sflag:$0x3], $0x80, s0, s23, $0xb8;
	[tilespmem:$0x1D000] =	vst v63  }
0x6c: {  	_ =	swait.ge [sflag:s20], $0x2000  }
0x6d: {  	[sflag:s20] =	ssyncset.done $0x0  }
0x6e: {  	[sflag:s20] =	ssyncadd.s32 $0xFFFFE000  }
0x6f: {  	_ =	swait.ge [sflag:s24], $0x2000  }
0x70: {  	[sflag:s24] =	ssyncset.done $0x0  }
0x71: {  	[sflag:s24] =	ssyncadd.s32 $0xFFFFE000  }
0x72: {  	[tilespmem:s25], [sflag:$0x2] =	stream.indirect.gather [hbm4b:s1+s23], $0x80, s28, s23, $0xb8;
	[tilespmem:$0x1D000] =	vst v63  }
0x73: {  	_ = 	snop  }
0x74: {  	[spmem:s3] =	stream.indirect.scatter.add.f32 [tilespmem:s22], [sflag:$0x3], $0x80, s29, s23, $0xb8;
	[tilespmem:$0x1D000] =	vst v63  }
0x75: {  	_ =	swait.ge [sflag:s20], $0x2000  }
0x76: {  	[sflag:s20] =	ssyncset.done $0x0  }
0x77: {  	[sflag:s20] =	ssyncadd.s32 $0xFFFFE000  }
0x78: {  	_ =	swait.ge [sflag:s26], $0x2000  }
0x79: {  	[sflag:s26] =	ssyncset.done $0x0  }
0x7a: {  	[sflag:s26] =	ssyncadd.s32 $0xFFFFE000  }
0x7b: {  	[spmem:s3] =	stream.indirect.scatter.add.f32 [tilespmem:s25], [sflag:$0x3], $0x80, s30, s23, $0xb8;
	[tilespmem:$0x1D000] =	vst v63  }
0x7c: {  	s0 =	stileid.u32;
	_ =	swait.ge [sflag:s20], $0x2000  }
0x7d: {  	s2 =	sshrl.u32 s8, $0x3;
	s31 =	sadd.s32 $0x1, s31;
	[sflag:s20] =	ssyncset.done $0x0  }
0x7e: {  	s0 =	sshll.u32 s0, $0x6;
	p0 =	sne.s32 s31, s18;
	[sflag:s20] =	ssyncadd.s32 $0xFFFFE000  }
.Ltmp1:
0x7f: {  	s0 =	sor.u32 $0x1C03, s0;
	[bflag:$0x0] =	sbarrier.arrive $0xFFFF;
	(pc) =	sbr.rel @p0 .LBB2_1-.Ltmp1, $4  }
0x80: {  	[hbm:s19], [sflag:s0] =	dma.local [spmem:s2], $0x2800  }
0x81: {  	_ =	swait.ge [sflag:s20], $0x2800  }
0x82: {  	[sflag:s20] =	ssyncset.done $0x0  }
0x83: {  	[sflag:s20] =	ssyncadd.s32 $0xFFFFD800  }
0x84: {  	_ =	sfence.sel $0x180000  }
0x85: {  	[bflag:$0x0] =	sbarrier.arrive $0xFFFF  }
0x86: {  	_ =	strace $0x9000004A  }
0x87: {  	s0 =	stileid.u32;
	[bflag:$0x2] =	sbarrier.arrive $0xFFFF  }
0x88: {  	p0 =	sne.s32 s0, $0x0;
	s0 =	rddreg [dreg:$0x3]  }
0x89: {  	s0 =	sadd.s32 @!p0 $0x100000, s0  }
0x8a: {  	[sflag:s0] =	ssyncadd.tile.s32 @!p0 $0x1;
	_ =	shalt  }
.Lfunc_end2:
_tile_overlayer_lowered:
.L_overlay_start_2:
0x8b: {  	(tag) =	ssettag $0x2  }
0x8c: {  	s0 =	rddreg [dreg:$0x0];
	s2 =	stileid.u32  }
0x8d: {  	s1 =	rddreg [dreg:$0x1];
	p0 =	sne.s32 s2, $0x0  }
0x8e: {  	s3 =	rddreg [dreg:$0x2];
	[bflag:$0x3] =	sbarrier.arrive $0xFFFF;
	s2 =	simm.s32 @!p0 $0x1C03  }
0x8f: {  	[timem:s3], [sflag:s2] =	dma.local @!p0 [hbm:s0], s1  }
0x90: {  	s0 =	simm.s32 @!p0 $0x3  }
0x91: {  	_ =	swait.ge @!p0 [sflag:s0], s1  }
0x92: {  	s1 =	ssub.s32 @!p0 $0x0, s1;
	[sflag:s0] =	ssyncset.done @!p0 $0x0  }
0x93: {  	[sflag:s0] =	ssyncadd.s32 @!p0 s1  }
0x94: {  	[bflag:$0x3] =	sbarrier.arrive $0xFFFF  }
0x95: {  	_ =	shalt  }

// kernel: kernel.14.cloned.1.call-start
scs
__scs_entry_jumppad:
0x0: {  	(pc) =	sbr.rel $0x88, $3  }
0x1: {  	(tag) =	ssettag $0x0;
	lr =	simm.s32 $0x1  }
0x2: {  	[smem:$0x3F9B] =	sst lr;
	_ =	strace $0xD0000000  }
0x3: {  	_ = 	snop  }
0x4: {  	_ = 	snop  }
0x5: {  	_ = 	snop  }
0x6: {  	_ = 	snop  }
0x7: {  	_ = 	snop  }
__scs_overlays_trampoline_lowered:
0x8: {  	[smem:$0x3FAA] =	sst s0  }
0x9: {  	[smem:$0x3FAB] =	sst s1  }
0xa: {  	[smem:$0x3FAC] =	sst s2  }
0xb: {  	[smem:$0x3FAD] =	sst s3  }
0xc: {  	[smem:$0x3FAE] =	sst s4  }
0xd: {  	[smem:$0x3FAF] =	sst s5  }
0xe: {  	[smem:$0x3FB0] =	sst s6  }
0xf: {  	[smem:$0x3FB1] =	sst s7  }
0x10: {  	[smem:$0x3FB2] =	sst s8  }
0x11: {  	[smem:$0x3FB3] =	sst s9;
	s0 =	simm.s32 @!p0 $0x0  }
0x12: {  	s1 =	sld [smem:$0x3F99];
	s0 =	simm.s32 @p0 $0x1  }
0x13: {  	[smem:$0x3FB4] =	sst s0;
	s0 =	simm.s32 @!p1 $0x0  }
0x14: {  	s2 =	sld [smem:$0x3F98];
	s0 =	simm.s32 @p1 $0x1  }
0x15: {  	[smem:$0x3FB5] =	sst s0;
	s0 =	simm.s32 @!p2 $0x0  }
0x16: {  	s3 =	sld [smem:$0x3FDB];
	s0 =	simm.s32 @p2 $0x1  }
0x17: {  	s4 =	simm.s32 $0x1BF5;
	[smem:$0x3FB7] =	sst s0  }
0x18: {  	s0 =	sld [smem:$0x3F9A];
	_ =	swait.ge [sflag:s4], $0x0  }
0x19: {  	s7 =	sld [smem:$0x3F9B]  }
0x1a: {  	s8 =	sadd.s32 $0xFFFFE003, lr  }
0x1b: {  	s9 =	sadd.s32 $0xFFFFFEF7, lr;
	s5 =	simm.s32 $0xFFFFFFFF;
	p2 =	slt.u32 s8, $0xFFFFF086  }
0x1c: {  	p1 =	slt.u32 s9, $0xF7A;
	s5 =	simm.s32 @!p2 $0x0  }
0x1d: {  	s5 =	simm.s32 @p1 $0x1;
	p0 =	seq.s32 s7, s2  }
0x1e: {  	s7 =	smul.u32 @!p0 $0xF7A, s2;
	p2 =	seq.s32 @!p0 s5, $0x0  }
0x1f: {  	s9 =	smul.u32 $0xF7A, s1;
	s8 =	simm.s32 @!p0 $0x1BF5;
	p2 =	por !p2, p0  }
0x20: {  	[sflag:s8] =	ssyncset.s32 @!p0 $0xFFFFF086;
	s6 =	sadd.s32 @!p0 s3, s7;
	s7 =	simm.s32 @!p0 $0x108  }
0x21: {  	s3 =	sadd.s32 s3, s9;
	s6 =	sadd.s32 @!p0 $0x88, s6;
	s7 =	simm.s32 @p2 $0x1082  }
0x22: {  	[simem:s7], [sflag:s8] =	dma.local @!p0 [hbm:s6], $0xF7A  }
0x23: {  	s9 =	sor.u32 $0xD0000000, s2;
	s6 =	simm.s32 $0x108;
	_ =	swait.ge @!p0 [sflag:s8], $0x0  }
0x24: {  	s3 =	sadd.s32 $0x88, s3;
	s6 =	simm.s32 @!p1 $0x1082;
	[sflag:s4] =	ssyncset.s32 $0xFFFFF086  }
0x25: {  	[simem:s6], [sflag:s4] =	dma.local [hbm:s3], $0xF7A  }
0x26: {  	[smem:$0x3F9B] =	sst s1;
	(tag) =	ssettag s2;
	_ =	strace s9  }
0x27: {  	s1 =	sld [smem:$0x3FAB]  }
0x28: {  	s2 =	sld [smem:$0x3FAC]  }
0x29: {  	s4 =	sld [smem:$0x3FAE]  }
0x2a: {  	p0 =	seq.s32 s5, $0x0;
	s5 =	sld [smem:$0x3FAF]  }
0x2b: {  	s6 =	sld [smem:$0x3FB0]  }
0x2c: {  	s7 =	sld [smem:$0x3FB1]  }
0x2d: {  	s3 =	simm.s32 $0x108;
	s8 =	sld [smem:$0x3FB2]  }
0x2e: {  	s3 =	simm.s32 @!p0 $0x1082;
	s9 =	sld [smem:$0x3FB3]  }
0x2f: {  	lr =	sadd.s32 s0, s3;
	s0 =	sld [smem:$0x3FAA]  }
0x30: {  	s3 =	sld [smem:$0x3FAD]  }
0x31: {  	[smem:$0x3FB6] =	sst s10  }
0x32: {  	s10 =	sld [smem:$0x3FB4];
	_ =	sdelay $0x3  }
0x33: {  	p0 =	seq.s32 s10, $0x1;
	s10 =	sld [smem:$0x3FB6];
	_ =	sdelay $0x3  }
0x34: {  	[smem:$0x3FB6] =	sst s10  }
0x35: {  	s10 =	sld [smem:$0x3FB5];
	_ =	sdelay $0x3  }
0x36: {  	p1 =	seq.s32 s10, $0x1;
	s10 =	sld [smem:$0x3FB6];
	_ =	sdelay $0x3  }
0x37: {  	[smem:$0x3FB6] =	sst s10  }
0x38: {  	s10 =	sld [smem:$0x3FB7]  }
0x39: {  	_ = 	snop;
	(pc) =	sbr.ind lr, $3  }
0x3a: {  	_ = 	snop  }
0x3b: {  	_ = 	snop  }
0x3c: {  	p2 =	seq.s32 s10, $0x1;
	s10 =	sld [smem:$0x3FB6]  }
0x3d: {  	_ =	shalt  }
0x3e: {  	_ =	shalt  }
0x3f: {  	_ =	shalt  }
0x40: {  	_ =	shalt  }
0x41: {  	_ =	shalt  }
0x42: {  	_ =	shalt  }
0x43: {  	_ =	shalt  }
0x44: {  	_ =	shalt  }
0x45: {  	_ =	shalt  }
0x46: {  	_ =	shalt  }
0x47: {  	_ =	shalt  }
0x48: {  	_ =	shalt  }
0x49: {  	_ =	shalt  }
0x4a: {  	_ =	shalt  }
0x4b: {  	_ =	shalt  }
0x4c: {  	_ =	shalt  }
0x4d: {  	_ =	shalt  }
0x4e: {  	_ =	shalt  }
0x4f: {  	_ =	shalt  }
0x50: {  	_ =	shalt  }
0x51: {  	_ =	shalt  }
0x52: {  	_ =	shalt  }
0x53: {  	_ =	shalt  }
0x54: {  	_ =	shalt  }
0x55: {  	_ =	shalt  }
0x56: {  	_ =	shalt  }
0x57: {  	_ =	shalt  }
0x58: {  	_ =	shalt  }
0x59: {  	_ =	shalt  }
0x5a: {  	_ =	shalt  }
0x5b: {  	_ =	shalt  }
0x5c: {  	_ =	shalt  }
0x5d: {  	_ =	shalt  }
0x5e: {  	_ =	shalt  }
0x5f: {  	_ =	shalt  }
0x60: {  	_ =	shalt  }
0x61: {  	_ =	shalt  }
0x62: {  	_ =	shalt  }
0x63: {  	_ =	shalt  }
0x64: {  	_ =	shalt  }
0x65: {  	_ =	shalt  }
0x66: {  	_ =	shalt  }
0x67: {  	_ =	shalt  }
0x68: {  	_ =	shalt  }
0x69: {  	_ =	shalt  }
0x6a: {  	_ =	shalt  }
0x6b: {  	_ =	shalt  }
0x6c: {  	_ =	shalt  }
0x6d: {  	_ =	shalt  }
0x6e: {  	_ =	shalt  }
0x6f: {  	_ =	shalt  }
0x70: {  	_ =	shalt  }
0x71: {  	_ =	shalt  }
0x72: {  	_ =	shalt  }
0x73: {  	_ =	shalt  }
0x74: {  	_ =	shalt  }
0x75: {  	_ =	shalt  }
0x76: {  	_ =	shalt  }
0x77: {  	_ =	shalt  }
0x78: {  	_ =	shalt  }
0x79: {  	_ =	shalt  }
0x7a: {  	_ =	shalt  }
0x7b: {  	_ =	shalt  }
0x7c: {  	_ =	shalt  }
0x7d: {  	_ =	shalt  }
0x7e: {  	_ =	shalt  }
0x7f: {  	_ =	shalt  }
0x80: {  	_ =	shalt  }
0x81: {  	_ =	shalt  }
0x82: {  	_ =	shalt  }
0x83: {  	_ =	shalt  }
0x84: {  	_ =	shalt  }
0x85: {  	_ =	shalt  }
0x86: {  	_ =	shalt  }
0x87: {  	_ =	shalt  }
.Lfunc_end0:
.L_simem_size_0:
called_computation.2_lowered:
.L_overlay_start_0:
0x88: {  	s2 =	sld [smem:$0x3FD9]  }
0x89: {  	s3 =	sld [smem:$0x3FFE];
	_ =	sdelay $0x1  }
0x8a: {  	s1 =	srdreg.scid  }
0x8b: {  	s0 =	sand.u32 $0x1, s1  }
0x8c: {  	s17 =	sshll.u32 s0, $0xA;
	s2 =	sadd.s32 s3, s2  }
0x8d: {  	s2 =	sadd.s32 s2, s17  }
0x8e: {  	[smem:$0x3FC2] =	sst s2  }
0x8f: {  	_ = 	snop  }
0x90: {  	s2 =	sld [smem:$0x3FD0];
	(tm) =	ssettm $0x1  }
0x91: {  	s18 =	sld [smem:$0x3FFB];
	_ =	sdelay $0x3  }
0x92: {  	_ =	strace s18  }
0x93: {  	s3 =	sld [smem:$0x3FFC];
	_ =	sdelay $0x3  }
0x94: {  	_ =	strace s3  }
0x95: {  	s3 =	sld [smem:$0x3FFD];
	_ =	sdelay $0x3  }
0x96: {  	_ =	strace s3  }
0x97: {  	_ =	strace $0x8FFFFFFF  }
0x98: {  	s19 =	sld [smem:$0x3FDB];
	_ =	sdelay $0x1  }
0x99: {  	s4 =	simm.s32 $_scs_section_size  }
0x9a: {  	s5 =	simm.s32 $_size__tile_overlayer_lowered;
	s6 =	simm.s32 $_tile_overlayer_lowered  }
0x9b: {  	s22 =	simm.s32 $0x1BFF;
	s21 =	sshll.u32 s6, $0x1;
	s3 =	sadd.s32 s4, s19  }
0x9c: {  	s7 =	simm.s32 $0x0;
	s20 =	sshll.u32 s5, $0x1;
	s5 =	sadd.s32 s21, s3  }
0x9d: {  	[timem:s7], [sflag:s22] =	dma.local [hbm:s5], s20  }
0x9e: {  	_ =	swait.ge [sflag:s22], s20  }
0x9f: {  	s4 =	ssub.s32 $0x0, s20;
	[sflag:s22] =	ssyncset.done $0x0  }
0xa0: {  	[sflag:s22] =	ssyncadd.s32 s4;
	_ =	sdelay $0x1  }
0xa1: {  	s23 =	simm.s32 $0x1B8B  }
0xa2: {  	_ =	swait.ge [sflag:s23], $0x1  }
0xa3: {  	[sflag:s23] =	ssyncset.done $0x0  }
0xa4: {  	s25 =	simm.s32 $0x1B8E;
	s24 =	sld [smem:$0x3FFE];
	[sflag:s23] =	ssyncadd.s32 $0xFFFFFFFF  }
0xa5: {  	s26 =	simm.s32 $execute0_lowered;
	[smem:$0x3FD2] =	sst s25  }
0xa6: {  	s5 =	sshll.u32 s26, $0x1;
	_ =	strace $0x8000004C;
	[dreg:$0x1] =	wrdreg $0xFFFFFFFF  }
0xa7: {  	s28 =	simm.s32 $_size_execute0_lowered;
	s3 =	sadd.s32 s3, s5;
	[dreg:$0x0] =	wrdreg $0x0  }
0xa8: {  	s5 =	sshll.u32 s28, $0x1;
	[dreg:$0x2] =	wrdreg s3  }
0xa9: {  	[dreg:$0x3] =	wrdreg s5  }
0xaa: {  	[dreg:$0x4] =	wrdreg $0xC0  }
0xab: {  	_ =	task [dreg:s7], $0x5FFFF  }
0xac: {  	[dreg:$0x1] =	wrdreg $0xFFFFFFFF  }
0xad: {  	[dreg:$0x0] =	wrdreg $0x60  }
0xae: {  	[dreg:$0x2] =	wrdreg s2  }
0xaf: {  	[dreg:$0x3] =	wrdreg s24  }
0xb0: {  	[dreg:$0x4] =	wrdreg $0x90000  }
0xb1: {  	[dreg:$0x5] =	wrdreg $0x9  }
0xb2: {  	_ =	task.clear_ibuf [dreg:s7], $0x6FFFF;
	_ =	strace $0x9000004C  }
0xb3: {  	s29 =	simm.s32 $0x9;
	_ =	strace $0x8000004E  }
0xb4: {  	_ =	swait.ge [sflag:s29], $0x1  }
0xb5: {  	[sflag:s29] =	ssyncadd.s32 $0xFFFFFFFF  }
0xb6: {  	_ =	strace $0x9000004E  }
0xb7: {  	_ =	sfence  }
0xb8: {  	s30 =	sld [smem:$0x0];
	_ =	sdelay $0x2  }
0xb9: {  	s31 =	sshll.u32 s1, $0xD;
	s1 =	sshrl.u32 s1, $0x2  }
0xba: {  	s3 =	sand.u32 $0x4000, s31;
	s1 =	sadd.s32 s1, s30  }
0xbb: {  	s0 =	sor.u32 s3, s0;
	s1 =	sshll.u32 s1, $0x11  }
0xbc: {  	s0 =	sor.u32 s1, s0  }
0xbd: {  	s0 =	sadd.s32 $0x8F2B, s0  }
0xbe: {  	[sflag:s0] =	ssyncadd.remote.s32 $0x1  }
0xbf: {  	_ =	sfence.sel $0xFFFF  }
0xc0: {  	[dreg:$0x0] =	wrdreg $0xFFFFFFFF;
	(pc) =	sbr.abs _section_cstart, $3  }
0xc1: {  	[dreg:$0x1] =	wrdreg $0xFFFFFFFF  }
0xc2: {  	_ =	task.clear_ibuf [dreg:s7], $0x2FFFF;
	_ =	strace $0x9FFFFFFF  }
0xc3: {  	(tm) =	ssettm $0x7FFFFFFF  }
tec
execute0_lowered:
.L_overlay_start_1:
0x0: {  	(tag) =	ssettag $0x1  }
0x1: {  	s1 =	rddreg [dreg:$0x0]  }
0x2: {  	s2 =	srdreg.scid;
	s19 =	rddreg [dreg:$0x1]  }
0x3: {  	s0 =	stileid.u32;
	s3 =	rddreg [dreg:$0x2];
	s22 =	simm.s32 $0x5000  }
0x4: {  	s23 =	simm.s32 $0x40;
	s24 =	simm.s32 $0x1;
	s25 =	simm.s32 $0x7000  }
0x5: {  	s28 =	simm.s32 $0x27C0;
	s29 =	simm.s32 $0x4F80;
	s30 =	simm.s32 $0x4FC0  }
0x6: {  	s2 =	sand.u32 $0x1, s2;
	s4 =	sshll.u32 s0, $0x1;
	s7 =	smul.u32 $0x50000, s0  }
0x7: {  	s31 =	simm.s32 $0x0;
	s20 =	smul.u32 $0x2800, s0;
	s5 =	sor.u32 s2, s4  }
0x8: {  	s4 =	simm.s32 $0x0;
	s6 =	ssub.s32 $0x2, s2;
	p0 =	seq.s32 s2, $0x1  }
0x9: {  	s2 =	simm.s32 $0x90600;
	s5 =	smul.u32 $0x500, s5;
	[smem:$0x7FF] =	sst s4  }
0xa: {  	s9 =	sshrl.u32 s6, $0x1;
	s26 =	sshrl.u32 s7, $0x2;
	s2 =	simm.s32 @!p0 $0x68600  }
0xb: {  	_ =	strace $0x8000004D;
	s18 =	ssub.s32 s6, s9;
	s2 =	sadd.s32 s2, s19  }
0xc: {  	s8 =	sadd.s32 s5, s19;
	s5 =	sadd.s32 $0x51E00, s19;
	s18 =	smax.u32 s18, $0x1  }
0xd: {  	s19 =	sadd.s32 s2, s20;
	s20 =	simm.s32 $0x3;
	s6 =	sadd.s32 $0x54600, s8  }
0xe: {  	s7 =	sadd.s32 $0x5E600, s8;
	s8 =	sadd.s32 s26, s3;
	s26 =	simm.s32 $0x2  }
0xf: {  	s9 =	sadd.s32 $0x2000, s8;
	s10 =	sadd.s32 $0x4000, s8;
	s11 =	sadd.s32 $0x6000, s8  }
0x10: {  	s12 =	sadd.s32 $0x8000, s8;
	s13 =	sadd.s32 $0xA000, s8;
	s14 =	sadd.s32 $0xC000, s8  }
0x11: {  	s15 =	sadd.s32 $0xE000, s8;
	s16 =	sadd.s32 $0x10000, s8;
	s17 =	sadd.s32 $0x12000, s8  }
.LBB2_1:
0x12: {  	[tilespmem:s4], [sflag:$0x3] =	stream.linear.gather [hbm4b:s6+s4], $0x2800, $0x38;
	[tilespmem:$0x1D000] =	vst v63  }
0x13: {  	_ =	swait.ge [sflag:s20], $0x2800  }
0x14: {  	[sflag:s20] =	ssyncset.done $0x0  }
0x15: {  	s0 =	simm.s32 $0x2800;
	[sflag:s20] =	ssyncadd.s32 $0xFFFFD800  }
0x16: {  	[tilespmem:s0], [sflag:$0x3] =	stream.linear.gather [hbm4b:s7+s4], $0x2800, $0x38;
	[tilespmem:$0x1D000] =	vst v63  }
0x17: {  	_ =	swait.ge [sflag:s20], $0x2800  }
0x18: {  	[sflag:s20] =	ssyncset.done $0x0  }
0x19: {  	[sflag:s20] =	ssyncadd.s32 $0xFFFFD800  }
0x1a: {  	[tilespmem:s22], [sflag:$0x3] =	stream.linear.gather [hbm4b:s5+s4], $0x2000, $0x38;
	[tilespmem:$0x1D000] =	vst v63  }
0x1b: {  	_ =	swait.ge [sflag:s20], $0x2000  }
0x1c: {  	[sflag:s20] =	ssyncset.done $0x0  }
0x1d: {  	[sflag:s20] =	ssyncadd.s32 $0xFFFFE000  }
0x1e: {  	[spmem:s8] =	stream.linear.scatter [tilespmem:s22], [sflag:$0x3], $0x2000, $0x38;
	[tilespmem:$0x1D000] =	vst v63  }
0x1f: {  	_ =	swait.ge [sflag:s20], $0x2000  }
0x20: {  	[sflag:s20] =	ssyncset.done $0x0  }
0x21: {  	[sflag:s20] =	ssyncadd.s32 $0xFFFFE000  }
0x22: {  	[spmem:s9] =	stream.linear.scatter [tilespmem:s22], [sflag:$0x3], $0x2000, $0x38;
	[tilespmem:$0x1D000] =	vst v63  }
0x23: {  	_ =	swait.ge [sflag:s20], $0x2000  }
0x24: {  	[sflag:s20] =	ssyncset.done $0x0  }
0x25: {  	[sflag:s20] =	ssyncadd.s32 $0xFFFFE000  }
0x26: {  	[spmem:s10] =	stream.linear.scatter [tilespmem:s22], [sflag:$0x3], $0x2000, $0x38;
	[tilespmem:$0x1D000] =	vst v63  }
0x27: {  	_ =	swait.ge [sflag:s20], $0x2000  }
0x28: {  	[sflag:s20] =	ssyncset.done $0x0  }
0x29: {  	[sflag:s20] =	ssyncadd.s32 $0xFFFFE000  }
0x2a: {  	[spmem:s11] =	stream.linear.scatter [tilespmem:s22], [sflag:$0x3], $0x2000, $0x38;
	[tilespmem:$0x1D000] =	vst v63  }
0x2b: {  	_ =	swait.ge [sflag:s20], $0x2000  }
0x2c: {  	[sflag:s20] =	ssyncset.done $0x0  }
0x2d: {  	[sflag:s20] =	ssyncadd.s32 $0xFFFFE000  }
0x2e: {  	[spmem:s12] =	stream.linear.scatter [tilespmem:s22], [sflag:$0x3], $0x2000, $0x38;
	[tilespmem:$0x1D000] =	vst v63  }
0x2f: {  	_ =	swait.ge [sflag:s20], $0x2000  }
0x30: {  	[sflag:s20] =	ssyncset.done $0x0  }
0x31: {  	[sflag:s20] =	ssyncadd.s32 $0xFFFFE000  }
0x32: {  	[spmem:s13] =	stream.linear.scatter [tilespmem:s22], [sflag:$0x3], $0x2000, $0x38;
	[tilespmem:$0x1D000] =	vst v63  }
0x33: {  	_ =	swait.ge [sflag:s20], $0x2000  }
0x34: {  	[sflag:s20] =	ssyncset.done $0x0  }
0x35: {  	[sflag:s20] =	ssyncadd.s32 $0xFFFFE000  }
0x36: {  	[spmem:s14] =	stream.linear.scatter [tilespmem:s22], [sflag:$0x3], $0x2000, $0x38;
	[tilespmem:$0x1D000] =	vst v63  }
0x37: {  	_ =	swait.ge [sflag:s20], $0x2000  }
0x38: {  	[sflag:s20] =	ssyncset.done $0x0  }
0x39: {  	[sflag:s20] =	ssyncadd.s32 $0xFFFFE000  }
0x3a: {  	[spmem:s15] =	stream.linear.scatter [tilespmem:s22], [sflag:$0x3], $0x2000, $0x38;
	[tilespmem:$0x1D000] =	vst v63  }
0x3b: {  	_ =	swait.ge [sflag:s20], $0x2000  }
0x3c: {  	[sflag:s20] =	ssyncset.done $0x0  }
0x3d: {  	[sflag:s20] =	ssyncadd.s32 $0xFFFFE000  }
0x3e: {  	[spmem:s16] =	stream.linear.scatter [tilespmem:s22], [sflag:$0x3], $0x2000, $0x38;
	[tilespmem:$0x1D000] =	vst v63  }
0x3f: {  	_ =	swait.ge [sflag:s20], $0x2000  }
0x40: {  	[sflag:s20] =	ssyncset.done $0x0  }
0x41: {  	[sflag:s20] =	ssyncadd.s32 $0xFFFFE000  }
0x42: {  	[spmem:s17] =	stream.linear.scatter [tilespmem:s22], [sflag:$0x3], $0x2000, $0x38;
	[tilespmem:$0x1D000] =	vst v63  }
0x43: {  	_ =	swait.ge [sflag:s20], $0x2000  }
0x44: {  	[sflag:s20] =	ssyncset.done $0x0  }
0x45: {  	[sflag:s20] =	ssyncadd.s32 $0xFFFFE000  }
0x46: {  	[bflag:$0x0] =	sbarrier.arrive $0xFFFF  }
0x47: {  	[tilespmem:s22], [sflag:$0x1] =	stream.indirect.gather [hbm4b:s1+s23], $0x80, s4, s23, $0xb8;
	[tilespmem:$0x1D000] =	vst v63  }
0x48: {  	_ =	swait.ge [sflag:s24], $0x2000  }
0x49: {  	[sflag:s24] =	ssyncset.done $0x0  }
0x4a: {  	s2 =	simm.s32 $0x40;
	[sflag:s24] =	ssyncadd.s32 $0xFFFFE000  }
0x4b: {  	[tilespmem:s25], [sflag:$0x2] =	stream.indirect.gather [hbm4b:s1+s23], $0x80, s2, s23, $0xb8;
	[tilespmem:$0x1D000] =	vst v63  }
0x4c: {  	s21 =	simm.s32 $0x2800  }
0x4d: {  	[spmem:s3] =	stream.indirect.scatter.add.f32 [tilespmem:s22], [sflag:$0x3], $0x80, s21, s23, $0xb8;
	[tilespmem:$0x1D000] =	vst v63  }
0x4e: {  	_ =	swait.ge [sflag:s20], $0x2000  }
0x4f: {  	[sflag:s20] =	ssyncset.done $0x0  }
0x50: {  	[sflag:s20] =	ssyncadd.s32 $0xFFFFE000  }
0x51: {  	_ =	swait.ge [sflag:s26], $0x2000  }
0x52: {  	[sflag:s26] =	ssyncset.done $0x0  }
0x53: {  	s0 =	simm.s32 $0x80;
	[sflag:s26] =	ssyncadd.s32 $0xFFFFE000  }
0x54: {  	[tilespmem:s22], [sflag:$0x1] =	stream.indirect.gather [hbm4b:s1+s23], $0x80, s0, s23, $0xb8;
	[tilespmem:$0x1D000] =	vst v63  }
0x55: {  	s21 =	simm.s32 $0x2840  }
0x56: {  	[spmem:s3] =	stream.indirect.scatter.add.f32 [tilespmem:s25], [sflag:$0x3], $0x80, s21, s23, $0xb8;
	[tilespmem:$0x1D000] =	vst v63  }
0x57: {  	_ =	swait.ge [sflag:s20], $0x2000  }
0x58: {  	s2 =	simm.s32 $0x200;
	[sflag:s20] =	ssyncset.done $0x0  }
.LBB2_2:
0x59: {  	p0 =	sne.s32 s2, $0x9C00  }
0x5a: {  	[sflag:s20] =	ssyncadd.s32 $0xFFFFE000;
	s0 =	smov.u32 s2;
	s2 =	sadd.s32 $0x200, s2  }
0x5b: {  	_ = 	snop  }
0x5c: {  	_ =	swait.ge [sflag:s24], $0x2000  }
0x5d: {  	s0 =	sshra.s32 s0, $0x2;
	[sflag:s24] =	ssyncset.done $0x0  }
0x5e: {  	s21 =	sadd.s32 $0x40, s0;
	[sflag:s24] =	ssyncadd.s32 $0xFFFFE000  }
0x5f: {  	[tilespmem:s25], [sflag:$0x2] =	stream.indirect.gather [hbm4b:s1+s23], $0x80, s21, s23, $0xb8;
	[tilespmem:$0x1D000] =	vst v63  }
0x60: {  	s21 =	sadd.s32 $0x2800, s0  }
0x61: {  	[spmem:s3] =	stream.indirect.scatter.add.f32 [tilespmem:s22], [sflag:$0x3], $0x80, s21, s23, $0xb8;
	[tilespmem:$0x1D000] =	vst v63  }
0x62: {  	_ =	swait.ge [sflag:s20], $0x2000  }
0x63: {  	[sflag:s20] =	ssyncset.done $0x0  }
0x64: {  	[sflag:s20] =	ssyncadd.s32 $0xFFFFE000  }
0x65: {  	_ =	swait.ge [sflag:s26], $0x2000  }
0x66: {  	[sflag:s26] =	ssyncset.done $0x0  }
0x67: {  	s21 =	sadd.s32 $0x80, s0;
	[sflag:s26] =	ssyncadd.s32 $0xFFFFE000  }
0x68: {  	[tilespmem:s22], [sflag:$0x1] =	stream.indirect.gather [hbm4b:s1+s23], $0x80, s21, s23, $0xb8;
	[tilespmem:$0x1D000] =	vst v63  }
.Ltmp0:
0x69: {  	_ = 	snop;
	(pc) =	sbr.rel @p0 .LBB2_2-.Ltmp0, $4  }
0x6a: {  	s0 =	sadd.s32 $0x2840, s0  }
0x6b: {  	[spmem:s3] =	stream.indirect.scatter.add.f32 [tilespmem:s25], [sflag:$0x3], $0x80, s0, s23, $0xb8;
	[tilespmem:$0x1D000] =	vst v63  }
0x6c: {  	_ =	swait.ge [sflag:s20], $0x2000  }
0x6d: {  	[sflag:s20] =	ssyncset.done $0x0  }
0x6e: {  	[sflag:s20] =	ssyncadd.s32 $0xFFFFE000  }
0x6f: {  	_ =	swait.ge [sflag:s24], $0x2000  }
0x70: {  	[sflag:s24] =	ssyncset.done $0x0  }
0x71: {  	[sflag:s24] =	ssyncadd.s32 $0xFFFFE000  }
0x72: {  	[tilespmem:s25], [sflag:$0x2] =	stream.indirect.gather [hbm4b:s1+s23], $0x80, s28, s23, $0xb8;
	[tilespmem:$0x1D000] =	vst v63  }
0x73: {  	_ = 	snop  }
0x74: {  	[spmem:s3] =	stream.indirect.scatter.add.f32 [tilespmem:s22], [sflag:$0x3], $0x80, s29, s23, $0xb8;
	[tilespmem:$0x1D000] =	vst v63  }
0x75: {  	_ =	swait.ge [sflag:s20], $0x2000  }
0x76: {  	[sflag:s20] =	ssyncset.done $0x0  }
0x77: {  	[sflag:s20] =	ssyncadd.s32 $0xFFFFE000  }
0x78: {  	_ =	swait.ge [sflag:s26], $0x2000  }
0x79: {  	[sflag:s26] =	ssyncset.done $0x0  }
0x7a: {  	[sflag:s26] =	ssyncadd.s32 $0xFFFFE000  }
0x7b: {  	[spmem:s3] =	stream.indirect.scatter.add.f32 [tilespmem:s25], [sflag:$0x3], $0x80, s30, s23, $0xb8;
	[tilespmem:$0x1D000] =	vst v63  }
0x7c: {  	s0 =	stileid.u32;
	_ =	swait.ge [sflag:s20], $0x2000  }
0x7d: {  	s2 =	sshrl.u32 s8, $0x3;
	s31 =	sadd.s32 $0x1, s31;
	[sflag:s20] =	ssyncset.done $0x0  }
0x7e: {  	s0 =	sshll.u32 s0, $0x6;
	p0 =	sne.s32 s31, s18;
	[sflag:s20] =	ssyncadd.s32 $0xFFFFE000  }
.Ltmp1:
0x7f: {  	s0 =	sor.u32 $0x1C03, s0;
	[bflag:$0x0] =	sbarrier.arrive $0xFFFF;
	(pc) =	sbr.rel @p0 .LBB2_1-.Ltmp1, $4  }
0x80: {  	[hbm:s19], [sflag:s0] =	dma.local [spmem:s2], $0x2800  }
0x81: {  	_ =	swait.ge [sflag:s20], $0x2800  }
0x82: {  	[sflag:s20] =	ssyncset.done $0x0  }
0x83: {  	[sflag:s20] =	ssyncadd.s32 $0xFFFFD800  }
0x84: {  	_ =	sfence.sel $0x180000  }
0x85: {  	[bflag:$0x0] =	sbarrier.arrive $0xFFFF  }
0x86: {  	_ =	strace $0x9000004D  }
0x87: {  	s0 =	stileid.u32;
	[bflag:$0x2] =	sbarrier.arrive $0xFFFF  }
0x88: {  	p0 =	sne.s32 s0, $0x0;
	s0 =	rddreg [dreg:$0x3]  }
0x89: {  	s0 =	sadd.s32 @!p0 $0x100000, s0  }
0x8a: {  	[sflag:s0] =	ssyncadd.tile.s32 @!p0 $0x1;
	_ =	shalt  }
.Lfunc_end2:
_tile_overlayer_lowered:
.L_overlay_start_2:
0x8b: {  	(tag) =	ssettag $0x2  }
0x8c: {  	s0 =	rddreg [dreg:$0x0];
	s2 =	stileid.u32  }
0x8d: {  	s1 =	rddreg [dreg:$0x1];
	p0 =	sne.s32 s2, $0x0  }
0x8e: {  	s3 =	rddreg [dreg:$0x2];
	[bflag:$0x3] =	sbarrier.arrive $0xFFFF;
	s2 =	simm.s32 @!p0 $0x1C03  }
0x8f: {  	[timem:s3], [sflag:s2] =	dma.local @!p0 [hbm:s0], s1  }
0x90: {  	s0 =	simm.s32 @!p0 $0x3  }
0x91: {  	_ =	swait.ge @!p0 [sflag:s0], s1  }
0x92: {  	s1 =	ssub.s32 @!p0 $0x0, s1;
	[sflag:s0] =	ssyncset.done @!p0 $0x0  }
0x93: {  	[sflag:s0] =	ssyncadd.s32 @!p0 s1  }
0x94: {  	[bflag:$0x3] =	sbarrier.arrive $0xFFFF  }
0x95: {  	_ =	shalt  }

// kernel: kernel.8.cloned.1.call-start
scs
__scs_entry_jumppad:
0x0: {  	(pc) =	sbr.rel $0x88, $3  }
0x1: {  	(tag) =	ssettag $0x0;
	lr =	simm.s32 $0x1  }
0x2: {  	[smem:$0x3F9B] =	sst lr;
	_ =	strace $0xD0000000  }
0x3: {  	_ = 	snop  }
0x4: {  	_ = 	snop  }
0x5: {  	_ = 	snop  }
0x6: {  	_ = 	snop  }
0x7: {  	_ = 	snop  }
__scs_overlays_trampoline_lowered:
0x8: {  	[smem:$0x3FAA] =	sst s0  }
0x9: {  	[smem:$0x3FAB] =	sst s1  }
0xa: {  	[smem:$0x3FAC] =	sst s2  }
0xb: {  	[smem:$0x3FAD] =	sst s3  }
0xc: {  	[smem:$0x3FAE] =	sst s4  }
0xd: {  	[smem:$0x3FAF] =	sst s5  }
0xe: {  	[smem:$0x3FB0] =	sst s6  }
0xf: {  	[smem:$0x3FB1] =	sst s7  }
0x10: {  	[smem:$0x3FB2] =	sst s8  }
0x11: {  	[smem:$0x3FB3] =	sst s9;
	s0 =	simm.s32 @!p0 $0x0  }
0x12: {  	s1 =	sld [smem:$0x3F99];
	s0 =	simm.s32 @p0 $0x1  }
0x13: {  	[smem:$0x3FB4] =	sst s0;
	s0 =	simm.s32 @!p1 $0x0  }
0x14: {  	s2 =	sld [smem:$0x3F98];
	s0 =	simm.s32 @p1 $0x1  }
0x15: {  	[smem:$0x3FB5] =	sst s0;
	s0 =	simm.s32 @!p2 $0x0  }
0x16: {  	s3 =	sld [smem:$0x3FDB];
	s0 =	simm.s32 @p2 $0x1  }
0x17: {  	s4 =	simm.s32 $0x1BF5;
	[smem:$0x3FB7] =	sst s0  }
0x18: {  	s0 =	sld [smem:$0x3F9A];
	_ =	swait.ge [sflag:s4], $0x0  }
0x19: {  	s7 =	sld [smem:$0x3F9B]  }
0x1a: {  	s8 =	sadd.s32 $0xFFFFE003, lr  }
0x1b: {  	s9 =	sadd.s32 $0xFFFFFEF7, lr;
	s5 =	simm.s32 $0xFFFFFFFF;
	p2 =	slt.u32 s8, $0xFFFFF086  }
0x1c: {  	p1 =	slt.u32 s9, $0xF7A;
	s5 =	simm.s32 @!p2 $0x0  }
0x1d: {  	s5 =	simm.s32 @p1 $0x1;
	p0 =	seq.s32 s7, s2  }
0x1e: {  	s7 =	smul.u32 @!p0 $0xF7A, s2;
	p2 =	seq.s32 @!p0 s5, $0x0  }
0x1f: {  	s9 =	smul.u32 $0xF7A, s1;
	s8 =	simm.s32 @!p0 $0x1BF5;
	p2 =	por !p2, p0  }
0x20: {  	[sflag:s8] =	ssyncset.s32 @!p0 $0xFFFFF086;
	s6 =	sadd.s32 @!p0 s3, s7;
	s7 =	simm.s32 @!p0 $0x108  }
0x21: {  	s3 =	sadd.s32 s3, s9;
	s6 =	sadd.s32 @!p0 $0x88, s6;
	s7 =	simm.s32 @p2 $0x1082  }
0x22: {  	[simem:s7], [sflag:s8] =	dma.local @!p0 [hbm:s6], $0xF7A  }
0x23: {  	s9 =	sor.u32 $0xD0000000, s2;
	s6 =	simm.s32 $0x108;
	_ =	swait.ge @!p0 [sflag:s8], $0x0  }
0x24: {  	s3 =	sadd.s32 $0x88, s3;
	s6 =	simm.s32 @!p1 $0x1082;
	[sflag:s4] =	ssyncset.s32 $0xFFFFF086  }
0x25: {  	[simem:s6], [sflag:s4] =	dma.local [hbm:s3], $0xF7A  }
0x26: {  	[smem:$0x3F9B] =	sst s1;
	(tag) =	ssettag s2;
	_ =	strace s9  }
0x27: {  	s1 =	sld [smem:$0x3FAB]  }
0x28: {  	s2 =	sld [smem:$0x3FAC]  }
0x29: {  	s4 =	sld [smem:$0x3FAE]  }
0x2a: {  	p0 =	seq.s32 s5, $0x0;
	s5 =	sld [smem:$0x3FAF]  }
0x2b: {  	s6 =	sld [smem:$0x3FB0]  }
0x2c: {  	s7 =	sld [smem:$0x3FB1]  }
0x2d: {  	s3 =	simm.s32 $0x108;
	s8 =	sld [smem:$0x3FB2]  }
0x2e: {  	s3 =	simm.s32 @!p0 $0x1082;
	s9 =	sld [smem:$0x3FB3]  }
0x2f: {  	lr =	sadd.s32 s0, s3;
	s0 =	sld [smem:$0x3FAA]  }
0x30: {  	s3 =	sld [smem:$0x3FAD]  }
0x31: {  	[smem:$0x3FB6] =	sst s10  }
0x32: {  	s10 =	sld [smem:$0x3FB4];
	_ =	sdelay $0x3  }
0x33: {  	p0 =	seq.s32 s10, $0x1;
	s10 =	sld [smem:$0x3FB6];
	_ =	sdelay $0x3  }
0x34: {  	[smem:$0x3FB6] =	sst s10  }
0x35: {  	s10 =	sld [smem:$0x3FB5];
	_ =	sdelay $0x3  }
0x36: {  	p1 =	seq.s32 s10, $0x1;
	s10 =	sld [smem:$0x3FB6];
	_ =	sdelay $0x3  }
0x37: {  	[smem:$0x3FB6] =	sst s10  }
0x38: {  	s10 =	sld [smem:$0x3FB7]  }
0x39: {  	_ = 	snop;
	(pc) =	sbr.ind lr, $3  }
0x3a: {  	_ = 	snop  }
0x3b: {  	_ = 	snop  }
0x3c: {  	p2 =	seq.s32 s10, $0x1;
	s10 =	sld [smem:$0x3FB6]  }
0x3d: {  	_ =	shalt  }
0x3e: {  	_ =	shalt  }
0x3f: {  	_ =	shalt  }
0x40: {  	_ =	shalt  }
0x41: {  	_ =	shalt  }
0x42: {  	_ =	shalt  }
0x43: {  	_ =	shalt  }
0x44: {  	_ =	shalt  }
0x45: {  	_ =	shalt  }
0x46: {  	_ =	shalt  }
0x47: {  	_ =	shalt  }
0x48: {  	_ =	shalt  }
0x49: {  	_ =	shalt  }
0x4a: {  	_ =	shalt  }
0x4b: {  	_ =	shalt  }
0x4c: {  	_ =	shalt  }
0x4d: {  	_ =	shalt  }
0x4e: {  	_ =	shalt  }
0x4f: {  	_ =	shalt  }
0x50: {  	_ =	shalt  }
0x51: {  	_ =	shalt  }
0x52: {  	_ =	shalt  }
0x53: {  	_ =	shalt  }
0x54: {  	_ =	shalt  }
0x55: {  	_ =	shalt  }
0x56: {  	_ =	shalt  }
0x57: {  	_ =	shalt  }
0x58: {  	_ =	shalt  }
0x59: {  	_ =	shalt  }
0x5a: {  	_ =	shalt  }
0x5b: {  	_ =	shalt  }
0x5c: {  	_ =	shalt  }
0x5d: {  	_ =	shalt  }
0x5e: {  	_ =	shalt  }
0x5f: {  	_ =	shalt  }
0x60: {  	_ =	shalt  }
0x61: {  	_ =	shalt  }
0x62: {  	_ =	shalt  }
0x63: {  	_ =	shalt  }
0x64: {  	_ =	shalt  }
0x65: {  	_ =	shalt  }
0x66: {  	_ =	shalt  }
0x67: {  	_ =	shalt  }
0x68: {  	_ =	shalt  }
0x69: {  	_ =	shalt  }
0x6a: {  	_ =	shalt  }
0x6b: {  	_ =	shalt  }
0x6c: {  	_ =	shalt  }
0x6d: {  	_ =	shalt  }
0x6e: {  	_ =	shalt  }
0x6f: {  	_ =	shalt  }
0x70: {  	_ =	shalt  }
0x71: {  	_ =	shalt  }
0x72: {  	_ =	shalt  }
0x73: {  	_ =	shalt  }
0x74: {  	_ =	shalt  }
0x75: {  	_ =	shalt  }
0x76: {  	_ =	shalt  }
0x77: {  	_ =	shalt  }
0x78: {  	_ =	shalt  }
0x79: {  	_ =	shalt  }
0x7a: {  	_ =	shalt  }
0x7b: {  	_ =	shalt  }
0x7c: {  	_ =	shalt  }
0x7d: {  	_ =	shalt  }
0x7e: {  	_ =	shalt  }
0x7f: {  	_ =	shalt  }
0x80: {  	_ =	shalt  }
0x81: {  	_ =	shalt  }
0x82: {  	_ =	shalt  }
0x83: {  	_ =	shalt  }
0x84: {  	_ =	shalt  }
0x85: {  	_ =	shalt  }
0x86: {  	_ =	shalt  }
0x87: {  	_ =	shalt  }
.Lfunc_end0:
.L_simem_size_0:
called_computation_lowered:
.L_overlay_start_0:
0x88: {  	s2 =	sld [smem:$0x3FD9]  }
0x89: {  	s3 =	sld [smem:$0x3FFE];
	_ =	sdelay $0x1  }
0x8a: {  	s1 =	srdreg.scid  }
0x8b: {  	s0 =	sand.u32 $0x1, s1  }
0x8c: {  	s17 =	sshll.u32 s0, $0xA;
	s2 =	sadd.s32 s3, s2  }
0x8d: {  	s2 =	sadd.s32 s2, s17  }
0x8e: {  	[smem:$0x3FC2] =	sst s2  }
0x8f: {  	_ = 	snop  }
0x90: {  	s2 =	sld [smem:$0x3FD0];
	(tm) =	ssettm $0x1  }
0x91: {  	s18 =	sld [smem:$0x3FFB];
	_ =	sdelay $0x3  }
0x92: {  	_ =	strace s18  }
0x93: {  	s3 =	sld [smem:$0x3FFC];
	_ =	sdelay $0x3  }
0x94: {  	_ =	strace s3  }
0x95: {  	s3 =	sld [smem:$0x3FFD];
	_ =	sdelay $0x3  }
0x96: {  	_ =	strace s3  }
0x97: {  	_ =	strace $0x8FFFFFFF  }
0x98: {  	s19 =	sld [smem:$0x3FDB];
	_ =	sdelay $0x1  }
0x99: {  	s4 =	simm.s32 $_scs_section_size  }
0x9a: {  	s5 =	simm.s32 $_size__tile_overlayer_lowered;
	s6 =	simm.s32 $_tile_overlayer_lowered  }
0x9b: {  	s22 =	simm.s32 $0x1BFF;
	s21 =	sshll.u32 s6, $0x1;
	s3 =	sadd.s32 s4, s19  }
0x9c: {  	s7 =	simm.s32 $0x0;
	s20 =	sshll.u32 s5, $0x1;
	s5 =	sadd.s32 s21, s3  }
0x9d: {  	[timem:s7], [sflag:s22] =	dma.local [hbm:s5], s20  }
0x9e: {  	_ =	swait.ge [sflag:s22], s20  }
0x9f: {  	s4 =	ssub.s32 $0x0, s20;
	[sflag:s22] =	ssyncset.done $0x0  }
0xa0: {  	[sflag:s22] =	ssyncadd.s32 s4;
	_ =	sdelay $0x1  }
0xa1: {  	s23 =	simm.s32 $0x1B8B  }
0xa2: {  	_ =	swait.ge [sflag:s23], $0x1  }
0xa3: {  	[sflag:s23] =	ssyncset.done $0x0  }
0xa4: {  	s25 =	simm.s32 $0x1B8E;
	s24 =	sld [smem:$0x3FFE];
	[sflag:s23] =	ssyncadd.s32 $0xFFFFFFFF  }
0xa5: {  	s26 =	simm.s32 $execute0_lowered;
	[smem:$0x3FD2] =	sst s25  }
0xa6: {  	s5 =	sshll.u32 s26, $0x1;
	_ =	strace $0x80000046;
	[dreg:$0x1] =	wrdreg $0xFFFFFFFF  }
0xa7: {  	s28 =	simm.s32 $_size_execute0_lowered;
	s3 =	sadd.s32 s3, s5;
	[dreg:$0x0] =	wrdreg $0x0  }
0xa8: {  	s5 =	sshll.u32 s28, $0x1;
	[dreg:$0x2] =	wrdreg s3  }
0xa9: {  	[dreg:$0x3] =	wrdreg s5  }
0xaa: {  	[dreg:$0x4] =	wrdreg $0xC0  }
0xab: {  	_ =	task [dreg:s7], $0x5FFFF  }
0xac: {  	[dreg:$0x1] =	wrdreg $0xFFFFFFFF  }
0xad: {  	[dreg:$0x0] =	wrdreg $0x60  }
0xae: {  	[dreg:$0x2] =	wrdreg s2  }
0xaf: {  	[dreg:$0x3] =	wrdreg s24  }
0xb0: {  	[dreg:$0x4] =	wrdreg $0x90000  }
0xb1: {  	[dreg:$0x5] =	wrdreg $0x9  }
0xb2: {  	_ =	task.clear_ibuf [dreg:s7], $0x6FFFF;
	_ =	strace $0x90000046  }
0xb3: {  	s29 =	simm.s32 $0x9;
	_ =	strace $0x80000048  }
0xb4: {  	_ =	swait.ge [sflag:s29], $0x1  }
0xb5: {  	[sflag:s29] =	ssyncadd.s32 $0xFFFFFFFF  }
0xb6: {  	_ =	strace $0x90000048  }
0xb7: {  	_ =	sfence  }
0xb8: {  	s30 =	sld [smem:$0x0];
	_ =	sdelay $0x2  }
0xb9: {  	s31 =	sshll.u32 s1, $0xD;
	s1 =	sshrl.u32 s1, $0x2  }
0xba: {  	s3 =	sand.u32 $0x4000, s31;
	s1 =	sadd.s32 s1, s30  }
0xbb: {  	s0 =	sor.u32 s3, s0;
	s1 =	sshll.u32 s1, $0x11  }
0xbc: {  	s0 =	sor.u32 s1, s0  }
0xbd: {  	s0 =	sadd.s32 $0x8F2B, s0  }
0xbe: {  	[sflag:s0] =	ssyncadd.remote.s32 $0x1  }
0xbf: {  	_ =	sfence.sel $0xFFFF  }
0xc0: {  	[dreg:$0x0] =	wrdreg $0xFFFFFFFF;
	(pc) =	sbr.abs _section_cstart, $3  }
0xc1: {  	[dreg:$0x1] =	wrdreg $0xFFFFFFFF  }
0xc2: {  	_ =	task.clear_ibuf [dreg:s7], $0x2FFFF;
	_ =	strace $0x9FFFFFFF  }
0xc3: {  	(tm) =	ssettm $0x7FFFFFFF  }
tec
execute0_lowered:
.L_overlay_start_1:
0x0: {  	(tag) =	ssettag $0x1  }
0x1: {  	s6 =	rddreg [dreg:$0x0]  }
0x2: {  	s16 =	rddreg [dreg:$0x1]  }
0x3: {  	s1 =	rddreg [dreg:$0x2]  }
0x4: {  	s0 =	rddreg [dreg:$0x3];
	s3 =	simm.s32 $0x0  }
0x5: {  	s4 =	srdreg.scid;
	s2 =	stileid.u32;
	s17 =	simm.s32 $0x2C600  }
0x6: {  	s19 =	simm.s32 $0x6800;
	s20 =	simm.s32 $0x50;
	s23 =	simm.s32 $0x0  }
0x7: {  	[smem:$0x7FF] =	sst s3;
	s13 =	sand.u32 $0x1, s4;
	s7 =	smul.u32 $0x50000, s2  }
0x8: {  	s4 =	sadd.s32 $0x4000, s16;
	s5 =	sadd.s32 $0x3A00, s16;
	s11 =	sshll.u32 s2, $0xC  }
0x9: {  	s18 =	smul.u32 $0x2800, s2;
	s21 =	sshll.u32 s2, $0x6;
	_ =	strace $0x80000047  }
0xa: {  	s8 =	ssub.s32 $0x2, s13;
	s10 =	sshll.u32 s13, $0xB;
	p0 =	seq.s32 s13, $0x1  }
0xb: {  	s21 =	sor.u32 $0x1C01, s21;
	s9 =	sshrl.u32 s8, $0x1;
	s7 =	sshrl.u32 s7, $0x2  }
0xc: {  	s10 =	sadd.s32 s6, s10;
	s17 =	simm.s32 @!p0 $0x4600;
	s6 =	sadd.s32 s7, s1  }
0xd: {  	s15 =	ssub.s32 s8, s9;
	s7 =	sadd.s32 s11, s10;
	s16 =	sadd.s32 s17, s16  }
0xe: {  	s17 =	simm.s32 $0x1;
	s8 =	sadd.s32 $0x2800, s6;
	s9 =	sadd.s32 $0x5000, s6  }
0xf: {  	s10 =	sadd.s32 $0x7800, s6;
	s11 =	sadd.s32 $0xA000, s6;
	s12 =	sadd.s32 $0xC800, s6  }
0x10: {  	s13 =	sadd.s32 $0xF000, s6;
	s14 =	sadd.s32 $0x11800, s6;
	s15 =	smax.u32 s15, $0x1  }
0x11: {  	s16 =	sadd.s32 s16, s18;
	s18 =	simm.s32 $0x4000;
	s22 =	sshrl.u32 s6, $0x3  }
.LBB2_1:
0x12: {  	[tilespmem:s3], [sflag:$0x1] =	stream.linear.gather [hbm4b:s7+s3], $0x3E80, $0x38;
	[tilespmem:$0x1D000] =	vst v63  }
0x13: {  	_ =	swait.ge [sflag:s17], $0x3E80  }
0x14: {  	[sflag:s17] =	ssyncset.done $0x0  }
0x15: {  	[sflag:s17] =	ssyncadd.s32 $0xFFFFC180  }
0x16: {  	[tilespmem:s18], [sflag:$0x1] =	stream.linear.gather [hbm4b:s4+s3], $0x2800, $0x38;
	[tilespmem:$0x1D000] =	vst v63  }
0x17: {  	_ =	swait.ge [sflag:s17], $0x2800  }
0x18: {  	[sflag:s17] =	ssyncset.done $0x0  }
0x19: {  	[sflag:s17] =	ssyncadd.s32 $0xFFFFD800  }
0x1a: {  	[tilespmem:s19], [sflag:$0x1] =	stream.linear.gather [hbm4b:s5+s3], $0x2800, $0x38;
	[tilespmem:$0x1D000] =	vst v63  }
0x1b: {  	_ =	swait.ge [sflag:s17], $0x2800  }
0x1c: {  	[sflag:s17] =	ssyncset.done $0x0  }
0x1d: {  	[sflag:s17] =	ssyncadd.s32 $0xFFFFD800  }
0x1e: {  	[spmem:s6] =	stream.linear.scatter [tilespmem:s19], [sflag:$0x1], $0x2800, $0x38;
	[tilespmem:$0x1D000] =	vst v63  }
0x1f: {  	_ =	swait.ge [sflag:s17], $0x2800  }
0x20: {  	[sflag:s17] =	ssyncset.done $0x0  }
0x21: {  	[sflag:s17] =	ssyncadd.s32 $0xFFFFD800  }
0x22: {  	[spmem:s8] =	stream.linear.scatter [tilespmem:s19], [sflag:$0x1], $0x2800, $0x38;
	[tilespmem:$0x1D000] =	vst v63  }
0x23: {  	_ =	swait.ge [sflag:s17], $0x2800  }
0x24: {  	[sflag:s17] =	ssyncset.done $0x0  }
0x25: {  	[sflag:s17] =	ssyncadd.s32 $0xFFFFD800  }
0x26: {  	[spmem:s9] =	stream.linear.scatter [tilespmem:s19], [sflag:$0x1], $0x2800, $0x38;
	[tilespmem:$0x1D000] =	vst v63  }
0x27: {  	_ =	swait.ge [sflag:s17], $0x2800  }
0x28: {  	[sflag:s17] =	ssyncset.done $0x0  }
0x29: {  	[sflag:s17] =	ssyncadd.s32 $0xFFFFD800  }
0x2a: {  	[spmem:s10] =	stream.linear.scatter [tilespmem:s19], [sflag:$0x1], $0x2800, $0x38;
	[tilespmem:$0x1D000] =	vst v63  }
0x2b: {  	_ =	swait.ge [sflag:s17], $0x2800  }
0x2c: {  	[sflag:s17] =	ssyncset.done $0x0  }
0x2d: {  	[sflag:s17] =	ssyncadd.s32 $0xFFFFD800  }
0x2e: {  	[spmem:s11] =	stream.linear.scatter [tilespmem:s19], [sflag:$0x1], $0x2800, $0x38;
	[tilespmem:$0x1D000] =	vst v63  }
0x2f: {  	_ =	swait.ge [sflag:s17], $0x2800  }
0x30: {  	[sflag:s17] =	ssyncset.done $0x0  }
0x31: {  	[sflag:s17] =	ssyncadd.s32 $0xFFFFD800  }
0x32: {  	[spmem:s12] =	stream.linear.scatter [tilespmem:s19], [sflag:$0x1], $0x2800, $0x38;
	[tilespmem:$0x1D000] =	vst v63  }
0x33: {  	_ =	swait.ge [sflag:s17], $0x2800  }
0x34: {  	[sflag:s17] =	ssyncset.done $0x0  }
0x35: {  	[sflag:s17] =	ssyncadd.s32 $0xFFFFD800  }
0x36: {  	[spmem:s13] =	stream.linear.scatter [tilespmem:s19], [sflag:$0x1], $0x2800, $0x38;
	[tilespmem:$0x1D000] =	vst v63  }
0x37: {  	_ =	swait.ge [sflag:s17], $0x2800  }
0x38: {  	[sflag:s17] =	ssyncset.done $0x0  }
0x39: {  	[sflag:s17] =	ssyncadd.s32 $0xFFFFD800  }
0x3a: {  	[spmem:s14] =	stream.linear.scatter [tilespmem:s19], [sflag:$0x1], $0x2800, $0x38;
	[tilespmem:$0x1D000] =	vst v63  }
0x3b: {  	_ =	swait.ge [sflag:s17], $0x2800  }
0x3c: {  	[sflag:s17] =	ssyncset.done $0x0  }
0x3d: {  	[sflag:s17] =	ssyncadd.s32 $0xFFFFD800  }
0x3e: {  	s24 =	simm.s32 $0x0;
	[bflag:$0x0] =	sbarrier.arrive $0xFFFF  }
0x3f: {  	[spmem:s1] =	stream.indirect.scatter.add.f32 [tilespmem:s18], [sflag:$0x1], $0x80, s24, s20, $0xb8;
	[tilespmem:$0x1D000] =	vst v63  }
0x40: {  	_ =	swait.ge [sflag:s17], $0x2800  }
0x41: {  	s24 =	simm.s32 $0x200;
	[sflag:s17] =	ssyncset.done $0x0  }
.LBB2_2:
0x42: {  	s25 =	sshra.s32 s24, $0x2;
	[sflag:s17] =	ssyncadd.s32 $0xFFFFD800;
	p0 =	sne.s32 s24, $0xF800  }
0x43: {  	[spmem:s1] =	stream.indirect.scatter.add.f32 [tilespmem:s18], [sflag:$0x1], $0x80, s25, s20, $0xb8;
	[tilespmem:$0x1D000] =	vst v63  }
.Ltmp0:
0x44: {  	_ = 	snop;
	(pc) =	sbr.rel @p0 .LBB2_2-.Ltmp0, $4  }
0x45: {  	_ = 	snop  }
0x46: {  	s24 =	sadd.s32 $0x200, s24  }
0x47: {  	_ =	swait.ge [sflag:s17], $0x2800  }
0x48: {  	[sflag:s17] =	ssyncset.done $0x0  }
0x49: {  	s23 =	sadd.s32 $0x1, s23  }
0x4a: {  	[sflag:s17] =	ssyncadd.s32 $0xFFFFD800;
	p0 =	sne.s32 s23, s15  }
.Ltmp1:
0x4b: {  	[bflag:$0x0] =	sbarrier.arrive $0xFFFF;
	(pc) =	sbr.rel @p0 .LBB2_1-.Ltmp1, $4  }
0x4c: {  	[hbm:s16], [sflag:s21] =	dma.local [spmem:s22], $0x2800  }
0x4d: {  	_ =	swait.ge [sflag:s17], $0x2800  }
0x4e: {  	[sflag:s17] =	ssyncset.done $0x0  }
0x4f: {  	[sflag:s17] =	ssyncadd.s32 $0xFFFFD800  }
0x50: {  	_ =	sfence.sel $0x180000  }
0x51: {  	[bflag:$0x0] =	sbarrier.arrive $0xFFFF  }
0x52: {  	p0 =	sne.s32 s2, $0x0;
	_ =	strace $0x90000047  }
0x53: {  	s0 =	sadd.s32 @!p0 $0x100000, s0;
	[bflag:$0x2] =	sbarrier.arrive $0xFFFF  }
0x54: {  	[sflag:s0] =	ssyncadd.tile.s32 @!p0 $0x1;
	_ =	shalt  }
.Lfunc_end2:
_tile_overlayer_lowered:
.L_overlay_start_2:
0x55: {  	(tag) =	ssettag $0x2  }
0x56: {  	s0 =	rddreg [dreg:$0x0];
	s2 =	stileid.u32  }
0x57: {  	s1 =	rddreg [dreg:$0x1];
	p0 =	sne.s32 s2, $0x0  }
0x58: {  	s3 =	rddreg [dreg:$0x2];
	[bflag:$0x3] =	sbarrier.arrive $0xFFFF;
	s2 =	simm.s32 @!p0 $0x1C01  }
0x59: {  	[timem:s3], [sflag:s2] =	dma.local @!p0 [hbm:s0], s1  }
0x5a: {  	s0 =	simm.s32 @!p0 $0x1  }
0x5b: {  	_ =	swait.ge @!p0 [sflag:s0], s1  }
0x5c: {  	s1 =	ssub.s32 @!p0 $0x0, s1;
	[sflag:s0] =	ssyncset.done @!p0 $0x0  }
0x5d: {  	[sflag:s0] =	ssyncadd.s32 @!p0 s1  }
0x5e: {  	[bflag:$0x3] =	sbarrier.arrive $0xFFFF  }
0x5f: {  	_ =	shalt  }

</sc_bundles>
